<compile_context>
chip_gen: v7x
topology: tpu7x:2x2x1
jax: 0.10.2.dev20260603
libtpu: 0.0.44.dev20260713+nightly
codegen_flags: <defaults>
</compile_context>

<pallas_src>
import functools

import jax
import jax.numpy as jnp
from jax import lax
from jax.experimental import pallas as pl
from jax.experimental.pallas import tpu as pltpu
from jax.experimental.pallas import tpu_sc as plsc


def _make_sc_gather_t(P, Dm, Vw, Bm, NW, NC, CHB):
    ppw = P // NW
    nchb = Bm // CHB
    mesh = plsc.VectorSubcoreMesh(core_axis_name="c", subcore_axis_name="s")

    @functools.partial(
        pl.kernel,
        mesh=mesh,
        compiler_params=pltpu.CompilerParams(
            use_tc_tiling_on_sc=True, needs_layout_passes=False),
        out_type=jax.ShapeDtypeStruct((P, Bm), jnp.float32),
        scratch_types=[
            pltpu.VMEM((Vw,), jnp.float32),
            pltpu.VMEM((Bm,), jnp.int32),
            pltpu.VMEM((CHB,), jnp.float32),
            pltpu.VMEM((CHB,), jnp.float32),
            pltpu.SemaphoreType.DMA,
            pltpu.SemaphoreType.DMA,
            pltpu.SemaphoreType.DMA,
        ],
    )
    def gather_k(table_hbm, idx_hbm, out_hbm, row_v, idx_v, out_v0, out_v1,
                 sem0, sem1, rowsem):
        wid = lax.axis_index("s") * NC + lax.axis_index("c")
        p0 = wid * ppw

        spin = lax.fori_loop(0, lax.axis_index("s") * 128,
                             lambda i, a: a + i, jnp.int32(0))
        out_v0[pl.ds(0, 16)] = jnp.full((16,), spin, jnp.float32)

        pltpu.async_copy(table_hbm.at[p0], row_v, rowsem)

        def pair_body(j, f_prev):
            p = p0 + j
            f = p // Dm

            @pl.when(f != f_prev)
            def _():
                pltpu.sync_copy(idx_hbm.at[f], idx_v)

            pltpu.make_async_copy(table_hbm.at[p], row_v, rowsem).wait()

            outs = (out_v0, out_v1)
            sems = (sem0, sem1)
            handles = []
            for c in range(nchb):
                ob, sb = outs[c % 2], sems[c % 2]
                if c >= 2:
                    handles[c - 2].wait()

                def g16(i, _ob=ob, _c=c):
                    vidx = idx_v[pl.ds(_c * CHB + i * 16, 16)]
                    _ob[pl.ds(i * 16, 16)] = plsc.load_gather(row_v, [vidx])

                plsc.parallel_loop(0, CHB // 16, unroll=8)(g16)
                handles.append(pltpu.async_copy(
                    ob, out_hbm.at[p, pl.ds(c * CHB, CHB)], sb))

            @pl.when(j + 1 < ppw)
            def _():
                pltpu.async_copy(table_hbm.at[p + 1], row_v, rowsem)

            for h in handles[-2:]:
                h.wait()
            return f

        lax.fori_loop(0, ppw, pair_body, jnp.int32(-1))

    return gather_k


def _make_tc_fm_mlp_t(Bm, BBc, NDm, ED, H1, H2):

    def body(dT_ref, eT_ref, w1dT_ref, w1eT_ref, b1_ref, w2T_ref, b2_ref,
             w3T_ref, b3_ref, out_ref):
        dT = dT_ref[...]
        eT = eT_ref[...]
        s = (jnp.sum(dT, axis=0, keepdims=True)
             + jnp.sum(eT, axis=0, keepdims=True))
        ss = (jnp.sum(dT * dT, axis=0, keepdims=True)
              + jnp.sum(eT * eT, axis=0, keepdims=True))
        fm = 0.5 * (s * s - ss)
        h = (jnp.dot(w1dT_ref[...], dT, preferred_element_type=jnp.float32,
                     precision=None)
             + jnp.dot(w1eT_ref[...], eT, preferred_element_type=jnp.float32,
                       precision=None)
             + b1_ref[...])
        h = jnp.maximum(h, 0.0)
        h = jnp.dot(w2T_ref[...], h, preferred_element_type=jnp.float32,
                    precision=None) + b2_ref[...]
        h = jnp.maximum(h, 0.0)
        o = jnp.dot(w3T_ref[...], h, preferred_element_type=jnp.float32,
                    precision=None) + b3_ref[...]
        z = fm + o
        out_ref[...] = 1.0 / (1.0 + jnp.exp(-z))

    return pl.pallas_call(
        body,
        grid=(Bm // BBc,),
        in_specs=[
            pl.BlockSpec((NDm, BBc), lambda i: (0, i)),
            pl.BlockSpec((ED, BBc), lambda i: (0, i)),
            pl.BlockSpec((H1, NDm), lambda i: (0, 0)),
            pl.BlockSpec((H1, ED), lambda i: (0, 0)),
            pl.BlockSpec((H1, 1), lambda i: (0, 0)),
            pl.BlockSpec((H2, H1), lambda i: (0, 0)),
            pl.BlockSpec((H2, 1), lambda i: (0, 0)),
            pl.BlockSpec((1, H2), lambda i: (0, 0)),
            pl.BlockSpec((1, 1), lambda i: (0, 0)),
        ],
        out_specs=pl.BlockSpec((1, BBc), lambda i: (0, i)),
        out_shape=jax.ShapeDtypeStruct((1, Bm), jnp.float32),
    )


def kernel(dense_features, sparse_features, tables, W1, b1, W2, b2, W3, b3):
    Bm, NDm = dense_features.shape
    F = sparse_features.shape[1]
    V, Dm = tables.shape[1], tables.shape[2]
    P = F * Dm

    info = plsc.get_sparse_core_info()
    NC, NS = info.num_cores, info.num_subcores
    NW = NC * NS

    tableT = tables.transpose(0, 2, 1).reshape(P, V)
    idxT = sparse_features.T

    gather = _make_sc_gather_t(P, Dm, V, Bm, NW, NC, CHB=4096)
    embT = gather(tableT, idxT)

    H1 = W1.shape[1]
    H2 = W2.shape[1]
    W1T = W1.T
    denseT = dense_features.T
    fm_mlp = _make_tc_fm_mlp_t(Bm, 2048, NDm, P, H1, H2)
    outT = fm_mlp(denseT, embT, W1T[:, :NDm], W1T[:, NDm:],
                  b1.reshape(H1, 1), W2.T, b2.reshape(H2, 1),
                  W3.T, b3.reshape(1, 1))
    return outT.reshape(Bm, 1)

# --- scband reference (transcript-rebuilt; emitter-appended) ---
"""Pipeline reference for scband-deep-fmnet-69415261438748 (READ-ONLY COPY).

The authoritative reference and input builder live on the scoring server;
editing this copy changes nothing except your own understanding.
"""

import jax, jax.numpy as jnp
import numpy as np

B, F, V, D, ND = 16384, 26, 100000, 32, 13
MLP1, MLP2 = 256, 128


def setup_inputs(seed: int = 0) -> dict:
    key = jax.random.key(seed)
    ks = jax.random.split(key, 10)
    dense_features = jax.random.normal(ks[0], (B, ND), dtype=jnp.float32)
    sparse_features = jax.random.randint(ks[1], (B, F), 0, V, dtype=jnp.int32)
    tables = jax.random.normal(ks[2], (F, V, D), dtype=jnp.float32) * 0.01
    in_dim = ND + F * D
    W1 = jax.random.normal(ks[3], (in_dim, MLP1), dtype=jnp.float32) * 0.02
    b1 = jnp.zeros((MLP1,), dtype=jnp.float32)
    W2 = jax.random.normal(ks[4], (MLP1, MLP2), dtype=jnp.float32) * 0.05
    b2 = jnp.zeros((MLP2,), dtype=jnp.float32)
    W3 = jax.random.normal(ks[5], (MLP2, 1), dtype=jnp.float32) * 0.05
    b3 = jnp.zeros((1,), dtype=jnp.float32)
    return {"dense_features": dense_features, "sparse_features": sparse_features,
            "tables": tables, "W1": W1, "b1": b1, "W2": W2, "b2": b2, "W3": W3, "b3": b3}


def reference(dense_features, sparse_features, tables, W1, b1, W2, b2, W3, b3):
    # per-field embedding lookups (gather), then concat along feature dim
    embs = [jnp.take(tables[i], sparse_features[:, i], axis=0) for i in range(F)]
    sparse_embeddings = jnp.concatenate(embs, axis=1)
    x = jnp.concatenate([dense_features, sparse_embeddings], axis=1)
    # factorization machine term
    square_of_sum = jnp.sum(x, axis=1) ** 2
    sum_of_square = jnp.sum(x ** 2, axis=1)
    x_fm = (0.5 * (square_of_sum - sum_of_square)).reshape(-1, 1)
    # MLP
    h = jax.nn.relu(x @ W1 + b1)
    h = jax.nn.relu(h @ W2 + b2)
    x_mlp = h @ W3 + b3
    return jax.nn.sigmoid(x_fm + x_mlp)

if __name__ == "__main__":
    import jax
    _d = setup_inputs()
    print(jax.jit(kernel)(*tuple(_d.values())))

</pallas_src>

<mosaic_0001>
#map = affine_map<(d0, d1) -> (0, 0)>
module attributes {stable_mosaic.version = 14 : i64} {
  func.func @gather_k(%arg0: i32, %arg1: i32, %arg2: memref<832x100000xf32, #tpu.memory_space<hbm>>, %arg3: memref<26x16384xi32, #tpu.memory_space<hbm>>, %arg4: memref<832x16384xf32, #tpu.memory_space<hbm>>, %arg5: memref<100000xf32, #tpu.memory_space<vmem>>, %arg6: memref<16384xi32, #tpu.memory_space<vmem>>, %arg7: memref<4096xf32, #tpu.memory_space<vmem>>, %arg8: memref<4096xf32, #tpu.memory_space<vmem>>, %arg9: memref<!tpu.dma_semaphore, #tpu.memory_space<semaphore_mem>>, %arg10: memref<!tpu.dma_semaphore, #tpu.memory_space<semaphore_mem>>, %arg11: memref<!tpu.dma_semaphore, #tpu.memory_space<semaphore_mem>>) attributes {dimension_semantics = [#tpu.dimension_semantics<core_parallel>, #tpu.dimension_semantics<subcore_parallel>], iteration_bounds = array<i64: 2, 16>, scalar_prefetch = 0 : i64, scratch_operands = 7 : i64, tpu.core_type = #tpu.core_type<sc_vector_subcore>, window_params = [{transform_indices = #map}, {transform_indices = #map}, {transform_indices = #map}]} {
    %mul3A = arith.constant 2 : i32
    %mul3A_0 = arith.muli %arg1, %mul3A : i32
    %add3A = arith.addi %mul3A_0, %arg0 : i32
    %mul3A_1 = arith.constant 26 : i32
    %mul3A_2 = arith.muli %add3A, %mul3A_1 : i32
    %mul3A_3 = arith.constant 128 : i32
    %mul3A_4 = arith.muli %arg1, %mul3A_3 : i32
    %while3A = arith.constant 0 : i32
    %while3A_5 = arith.constant 0 : i32
    %while3A_6 = arith.subi %mul3A_4, %while3A : i32
    %while3A_7 = arith.addi %while3A, %while3A_6 : i32
    %while3A_8 = arith.constant 1 : i32
    %while3A_9 = arith.divsi %while3A_6, %while3A_8 : i32
    %while3A_10 = arith.muli %while3A_9, %while3A_8 : i32
    %while3A_11 = arith.addi %while3A, %while3A_10 : i32
    %while3A_12 = arith.constant 1 : i32
    %while3A_13 = scf.for %while3A_28 = %while3A to %while3A_11 step %while3A_12 iter_args(%while3A_29 = %while3A_5) -> (i32)  : i32 {
      %add3A_30 = arith.addi %while3A_29, %while3A_28 : i32
      scf.yield %add3A_30 : i32
    }
    %while3A_14 = arith.constant 1 : i32
    %while3A_15 = scf.for %while3A_28 = %while3A_11 to %while3A_7 step %while3A_14 iter_args(%while3A_29 = %while3A_13) -> (i32)  : i32 {
      %add3A_30 = arith.addi %while3A_29, %while3A_28 : i32
      scf.yield %add3A_30 : i32
    }
    %convert_element_type3A = arith.sitofp %while3A_15 : i32 to f32
    %broadcast_in_dim3A = vector.broadcast %convert_element_type3A : f32 to vector<16xf32>
    %swap3A = arith.constant 0 : index
    %swap3A_16 = tpu.vector_load %arg7[%swap3A] {strides = array<i32>} : memref<4096xf32, #tpu.memory_space<vmem>>, vector<16xf32>,
    tpu.vector_store %arg7[%swap3A], %broadcast_in_dim3A {strides = array<i32>} : memref<4096xf32, #tpu.memory_space<vmem>>, vector<16xf32>,
    %dma_start3A = arith.constant 0 : i32
    %dma_start3A_17 = tpu.memref_slice %arg2[%mul3A_2, %dma_start3A] : memref<832x100000xf32, #tpu.memory_space<hbm>> -> memref<1x100000xf32, #tpu.memory_space<hbm>>
    %dma_start3A_18 = tpu.memref_squeeze %dma_start3A_17 : memref<1x100000xf32, #tpu.memory_space<hbm>> -> memref<100000xf32, #tpu.memory_space<hbm>>
    %dma_start3A_19 = arith.constant 0 : i32
    %dma_start3A_20 = tpu.memref_slice %arg2[%mul3A_2, %dma_start3A_19] : memref<832x100000xf32, #tpu.memory_space<hbm>> -> memref<1x100000xf32, #tpu.memory_space<hbm>>
    %dma_start3A_21 = tpu.memref_squeeze %dma_start3A_20 : memref<1x100000xf32, #tpu.memory_space<hbm>> -> memref<100000xf32, #tpu.memory_space<hbm>>
    tpu.enqueue_dma source(%dma_start3A_21 : memref<100000xf32, #tpu.memory_space<hbm>>) target(%arg5 : memref<100000xf32, #tpu.memory_space<vmem>>) target_semaphore(%arg11 : memref<!tpu.dma_semaphore, #tpu.memory_space<semaphore_mem>>)
    %scan3A = arith.constant -1 : i32
    %scan3A_22 = arith.constant 0 : i32
    %scan3A_23 = arith.constant 26 : i32
    %scan3A_24 = arith.addi %scan3A_22, %scan3A_23 : i32
    %scan3A_25 = arith.constant 1 : i32
    %scan3A_26 = scf.for %scan3A_28 = %scan3A_22 to %scan3A_24 step %scan3A_25 iter_args(%scan3A_29 = %scan3A) -> (i32)  : i32 {
      %add3A_30 = arith.addi %mul3A_2, %scan3A_28 : i32
      %jit3A = arith.constant 32 : i32
      %div3A = arith.divsi %add3A_30, %jit3A : i32
      %sign3A = arith.constant 0 : i32
      %sign3A_31 = arith.cmpi sgt, %add3A_30, %sign3A : i32
      %sign3A_32 = arith.extui %sign3A_31 : i1 to i32
      %sign3A_33 = arith.constant 0 : i32
      %sign3A_34 = arith.cmpi slt, %add3A_30, %sign3A_33 : i32
      %sign3A_35 = arith.extui %sign3A_34 : i1 to i32
      %sign3A_36 = arith.subi %sign3A_32, %sign3A_35 : i32
      %sign3A_37 = arith.constant 0 : i32
      %sign3A_38 = arith.cmpi sgt, %jit3A, %sign3A_37 : i32
      %sign3A_39 = arith.extui %sign3A_38 : i1 to i32
      %sign3A_40 = arith.constant 0 : i32
      %sign3A_41 = arith.cmpi slt, %jit3A, %sign3A_40 : i32
      %sign3A_42 = arith.extui %sign3A_41 : i1 to i32
      %sign3A_43 = arith.subi %sign3A_39, %sign3A_42 : i32
      %ne3A = arith.cmpi ne, %sign3A_36, %sign3A_43 : i32
      %rem3A = arith.remsi %add3A_30, %jit3A : i32
      %ne3A_44 = arith.constant 0 : i32
      %ne3A_45 = arith.cmpi ne, %rem3A, %ne3A_44 : i32
      %and3A = arith.andi %ne3A, %ne3A_45 : i1
      %sub3A = arith.constant 1 : i32
      %sub3A_46 = arith.subi %div3A, %sub3A : i32
      %select_n3A = arith.select %and3A, %sub3A_46, %div3A : i32
      %ne3A_47 = arith.cmpi ne, %select_n3A, %scan3A_29 : i32
      %convert_element_type3A_48 = arith.extui %ne3A_47 : i1 to i32
      %cond3A = arith.constant 0 : i32
      %cond3A_49 = arith.cmpi ne, %convert_element_type3A_48, %cond3A : i32
      scf.if %cond3A_49 {
        "tpu.region"() ({
          %run_scoped3A = tpu.sem_alloc : memref<!tpu.dma_semaphore, #tpu.memory_space<semaphore_mem>>
          %dma_start3A_120 = arith.constant 0 : i32
          %dma_start3A_121 = tpu.memref_slice %arg3[%select_n3A, %dma_start3A_120] : memref<26x16384xi32, #tpu.memory_space<hbm>> -> memref<1x16384xi32, #tpu.memory_space<hbm>>
          %dma_start3A_122 = tpu.memref_squeeze %dma_start3A_121 : memref<1x16384xi32, #tpu.memory_space<hbm>> -> memref<16384xi32, #tpu.memory_space<hbm>>
          %dma_start3A_123 = arith.constant 0 : i32
          %dma_start3A_124 = tpu.memref_slice %arg3[%select_n3A, %dma_start3A_123] : memref<26x16384xi32, #tpu.memory_space<hbm>> -> memref<1x16384xi32, #tpu.memory_space<hbm>>
          %dma_start3A_125 = tpu.memref_squeeze %dma_start3A_124 : memref<1x16384xi32, #tpu.memory_space<hbm>> -> memref<16384xi32, #tpu.memory_space<hbm>>
          tpu.enqueue_dma source(%dma_start3A_125 : memref<16384xi32, #tpu.memory_space<hbm>>) target(%arg6 : memref<16384xi32, #tpu.memory_space<vmem>>) target_semaphore(%run_scoped3A : memref<!tpu.dma_semaphore, #tpu.memory_space<semaphore_mem>>)
          %dma_wait3A_126 = arith.constant 0 : i32
          %dma_wait3A_127 = tpu.memref_slice %arg3[%select_n3A, %dma_wait3A_126] : memref<26x16384xi32, #tpu.memory_space<hbm>> -> memref<1x16384xi32, #tpu.memory_space<hbm>>
          %dma_wait3A_128 = tpu.memref_squeeze %dma_wait3A_127 : memref<1x16384xi32, #tpu.memory_space<hbm>> -> memref<16384xi32, #tpu.memory_space<hbm>>
          %dma_wait3A_129 = arith.constant 0 : i32
          %dma_wait3A_130 = tpu.memref_slice %arg3[%select_n3A, %dma_wait3A_129] : memref<26x16384xi32, #tpu.memory_space<hbm>> -> memref<1x16384xi32, #tpu.memory_space<hbm>>
          %dma_wait3A_131 = tpu.memref_squeeze %dma_wait3A_130 : memref<1x16384xi32, #tpu.memory_space<hbm>> -> memref<16384xi32, #tpu.memory_space<hbm>>
          tpu.wait_dma2 semaphore(%run_scoped3A : memref<!tpu.dma_semaphore, #tpu.memory_space<semaphore_mem>>) src(%dma_wait3A_131 : memref<16384xi32, #tpu.memory_space<hbm>>) dst(%arg6 : memref<16384xi32, #tpu.memory_space<vmem>>)
          tpu.yield
        }) : () -> ()
      } else {
      }
      %dma_wait3A = arith.constant 0 : i32
      %dma_wait3A_50 = tpu.memref_slice %arg2[%add3A_30, %dma_wait3A] : memref<832x100000xf32, #tpu.memory_space<hbm>> -> memref<1x100000xf32, #tpu.memory_space<hbm>>
      %dma_wait3A_51 = tpu.memref_squeeze %dma_wait3A_50 : memref<1x100000xf32, #tpu.memory_space<hbm>> -> memref<100000xf32, #tpu.memory_space<hbm>>
      %dma_wait3A_52 = arith.constant 0 : i32
      %dma_wait3A_53 = tpu.memref_slice %arg2[%add3A_30, %dma_wait3A_52] : memref<832x100000xf32, #tpu.memory_space<hbm>> -> memref<1x100000xf32, #tpu.memory_space<hbm>>
      %dma_wait3A_54 = tpu.memref_squeeze %dma_wait3A_53 : memref<1x100000xf32, #tpu.memory_space<hbm>> -> memref<100000xf32, #tpu.memory_space<hbm>>
      tpu.wait_dma2 semaphore(%arg11 : memref<!tpu.dma_semaphore, #tpu.memory_space<semaphore_mem>>) src(%dma_wait3A_54 : memref<100000xf32, #tpu.memory_space<hbm>>) dst(%arg5 : memref<100000xf32, #tpu.memory_space<vmem>>)
      %parallel_loop3A = arith.constant 0 : i32
      %parallel_loop3A_55 = arith.constant 256 : i32
      %parallel_loop3A_56 = arith.constant 1 : i32
      scf.for %parallel_loop3A_120 = %parallel_loop3A to %parallel_loop3A_55 step %parallel_loop3A_56  : i32 {
        %parallel_loop3A_121 = arith.constant 16 : i32
        %parallel_loop3A_122 = arith.muli %parallel_loop3A_120, %parallel_loop3A_121 : i32
        %parallel_loop3A_123 = arith.constant 0 : i32
        %parallel_loop3A_124 = arith.addi %parallel_loop3A_123, %parallel_loop3A_122 : i32
        %parallel_loop3A_125 = arith.index_cast %parallel_loop3A_124 : i32 to index
        %parallel_loop3A_126 = tpu.vector_load %arg6[%parallel_loop3A_125] {strides = array<i32>} : memref<16384xi32, #tpu.memory_space<vmem>>, vector<16xi32>,
        %parallel_loop3A_127 = tpu.vector_load_idx %arg5[%parallel_loop3A_126] : memref<100000xf32, #tpu.memory_space<vmem>>[vector<16xi32>], vector<16xf32>,
        %parallel_loop3A_128 = arith.constant 16 : i32
        %parallel_loop3A_129 = arith.muli %parallel_loop3A_120, %parallel_loop3A_128 : i32
        %parallel_loop3A_130 = arith.index_cast %parallel_loop3A_129 : i32 to index
        %parallel_loop3A_131 = tpu.vector_load %arg7[%parallel_loop3A_130] {strides = array<i32>} : memref<4096xf32, #tpu.memory_space<vmem>>, vector<16xf32>,
        tpu.vector_store %arg7[%parallel_loop3A_130], %parallel_loop3A_127 {strides = array<i32>} : memref<4096xf32, #tpu.memory_space<vmem>>, vector<16xf32>,
      } {sc.loop_unroll_factor = 8 : i64, sc.parallel_access}
      %dma_start3A_57 = arith.constant 0 : i32
      %dma_start3A_58 = tpu.memref_slice %arg4[%add3A_30, %dma_start3A_57] : memref<832x16384xf32, #tpu.memory_space<hbm>> -> memref<1x4096xf32, #tpu.memory_space<hbm>>
      %dma_start3A_59 = tpu.memref_squeeze %dma_start3A_58 : memref<1x4096xf32, #tpu.memory_space<hbm>> -> memref<4096xf32, #tpu.memory_space<hbm>>
      %dma_start3A_60 = arith.constant 0 : i32
      %dma_start3A_61 = tpu.memref_slice %arg4[%add3A_30, %dma_start3A_60] : memref<832x16384xf32, #tpu.memory_space<hbm>> -> memref<1x4096xf32, #tpu.memory_space<hbm>>
      %dma_start3A_62 = tpu.memref_squeeze %dma_start3A_61 : memref<1x4096xf32, #tpu.memory_space<hbm>> -> memref<4096xf32, #tpu.memory_space<hbm>>
      tpu.enqueue_dma source(%arg7 : memref<4096xf32, #tpu.memory_space<vmem>>) target(%dma_start3A_62 : memref<4096xf32, #tpu.memory_space<hbm>>) target_semaphore(%arg9 : memref<!tpu.dma_semaphore, #tpu.memory_space<semaphore_mem>>)
      %parallel_loop3A_63 = arith.constant 0 : i32
      %parallel_loop3A_64 = arith.constant 256 : i32
      %parallel_loop3A_65 = arith.constant 1 : i32
      scf.for %parallel_loop3A_120 = %parallel_loop3A_63 to %parallel_loop3A_64 step %parallel_loop3A_65  : i32 {
        %parallel_loop3A_121 = arith.constant 16 : i32
        %parallel_loop3A_122 = arith.muli %parallel_loop3A_120, %parallel_loop3A_121 : i32
        %parallel_loop3A_123 = arith.constant 4096 : i32
        %parallel_loop3A_124 = arith.addi %parallel_loop3A_123, %parallel_loop3A_122 : i32
        %parallel_loop3A_125 = arith.index_cast %parallel_loop3A_124 : i32 to index
        %parallel_loop3A_126 = tpu.vector_load %arg6[%parallel_loop3A_125] {strides = array<i32>} : memref<16384xi32, #tpu.memory_space<vmem>>, vector<16xi32>,
        %parallel_loop3A_127 = tpu.vector_load_idx %arg5[%parallel_loop3A_126] : memref<100000xf32, #tpu.memory_space<vmem>>[vector<16xi32>], vector<16xf32>,
        %parallel_loop3A_128 = arith.constant 16 : i32
        %parallel_loop3A_129 = arith.muli %parallel_loop3A_120, %parallel_loop3A_128 : i32
        %parallel_loop3A_130 = arith.index_cast %parallel_loop3A_129 : i32 to index
        %parallel_loop3A_131 = tpu.vector_load %arg8[%parallel_loop3A_130] {strides = array<i32>} : memref<4096xf32, #tpu.memory_space<vmem>>, vector<16xf32>,
        tpu.vector_store %arg8[%parallel_loop3A_130], %parallel_loop3A_127 {strides = array<i32>} : memref<4096xf32, #tpu.memory_space<vmem>>, vector<16xf32>,
      } {sc.loop_unroll_factor = 8 : i64, sc.parallel_access}
      %dma_start3A_66 = arith.constant 4096 : i32
      %dma_start3A_67 = tpu.memref_slice %arg4[%add3A_30, %dma_start3A_66] : memref<832x16384xf32, #tpu.memory_space<hbm>> -> memref<1x4096xf32, #tpu.memory_space<hbm>>
      %dma_start3A_68 = tpu.memref_squeeze %dma_start3A_67 : memref<1x4096xf32, #tpu.memory_space<hbm>> -> memref<4096xf32, #tpu.memory_space<hbm>>
      %dma_start3A_69 = arith.constant 4096 : i32
      %dma_start3A_70 = tpu.memref_slice %arg4[%add3A_30, %dma_start3A_69] : memref<832x16384xf32, #tpu.memory_space<hbm>> -> memref<1x4096xf32, #tpu.memory_space<hbm>>
      %dma_start3A_71 = tpu.memref_squeeze %dma_start3A_70 : memref<1x4096xf32, #tpu.memory_space<hbm>> -> memref<4096xf32, #tpu.memory_space<hbm>>
      tpu.enqueue_dma source(%arg8 : memref<4096xf32, #tpu.memory_space<vmem>>) target(%dma_start3A_71 : memref<4096xf32, #tpu.memory_space<hbm>>) target_semaphore(%arg10 : memref<!tpu.dma_semaphore, #tpu.memory_space<semaphore_mem>>)
      %dma_wait3A_72 = arith.constant 0 : i32
      %dma_wait3A_73 = tpu.memref_slice %arg4[%add3A_30, %dma_wait3A_72] : memref<832x16384xf32, #tpu.memory_space<hbm>> -> memref<1x4096xf32, #tpu.memory_space<hbm>>
      %dma_wait3A_74 = tpu.memref_squeeze %dma_wait3A_73 : memref<1x4096xf32, #tpu.memory_space<hbm>> -> memref<4096xf32, #tpu.memory_space<hbm>>
      %dma_wait3A_75 = arith.constant 0 : i32
      %dma_wait3A_76 = tpu.memref_slice %arg4[%add3A_30, %dma_wait3A_75] : memref<832x16384xf32, #tpu.memory_space<hbm>> -> memref<1x4096xf32, #tpu.memory_space<hbm>>
      %dma_wait3A_77 = tpu.memref_squeeze %dma_wait3A_76 : memref<1x4096xf32, #tpu.memory_space<hbm>> -> memref<4096xf32, #tpu.memory_space<hbm>>
      tpu.wait_dma2 semaphore(%arg9 : memref<!tpu.dma_semaphore, #tpu.memory_space<semaphore_mem>>) src(%arg7 : memref<4096xf32, #tpu.memory_space<vmem>>) dst(%dma_wait3A_77 : memref<4096xf32, #tpu.memory_space<hbm>>)
      %parallel_loop3A_78 = arith.constant 0 : i32
      %parallel_loop3A_79 = arith.constant 256 : i32
      %parallel_loop3A_80 = arith.constant 1 : i32
      scf.for %parallel_loop3A_120 = %parallel_loop3A_78 to %parallel_loop3A_79 step %parallel_loop3A_80  : i32 {
        %parallel_loop3A_121 = arith.constant 16 : i32
        %parallel_loop3A_122 = arith.muli %parallel_loop3A_120, %parallel_loop3A_121 : i32
        %parallel_loop3A_123 = arith.constant 8192 : i32
        %parallel_loop3A_124 = arith.addi %parallel_loop3A_123, %parallel_loop3A_122 : i32
        %parallel_loop3A_125 = arith.index_cast %parallel_loop3A_124 : i32 to index
        %parallel_loop3A_126 = tpu.vector_load %arg6[%parallel_loop3A_125] {strides = array<i32>} : memref<16384xi32, #tpu.memory_space<vmem>>, vector<16xi32>,
        %parallel_loop3A_127 = tpu.vector_load_idx %arg5[%parallel_loop3A_126] : memref<100000xf32, #tpu.memory_space<vmem>>[vector<16xi32>], vector<16xf32>,
        %parallel_loop3A_128 = arith.constant 16 : i32
        %parallel_loop3A_129 = arith.muli %parallel_loop3A_120, %parallel_loop3A_128 : i32
        %parallel_loop3A_130 = arith.index_cast %parallel_loop3A_129 : i32 to index
        %parallel_loop3A_131 = tpu.vector_load %arg7[%parallel_loop3A_130] {strides = array<i32>} : memref<4096xf32, #tpu.memory_space<vmem>>, vector<16xf32>,
        tpu.vector_store %arg7[%parallel_loop3A_130], %parallel_loop3A_127 {strides = array<i32>} : memref<4096xf32, #tpu.memory_space<vmem>>, vector<16xf32>,
      } {sc.loop_unroll_factor = 8 : i64, sc.parallel_access}
      %dma_start3A_81 = arith.constant 8192 : i32
      %dma_start3A_82 = tpu.memref_slice %arg4[%add3A_30, %dma_start3A_81] : memref<832x16384xf32, #tpu.memory_space<hbm>> -> memref<1x4096xf32, #tpu.memory_space<hbm>>
      %dma_start3A_83 = tpu.memref_squeeze %dma_start3A_82 : memref<1x4096xf32, #tpu.memory_space<hbm>> -> memref<4096xf32, #tpu.memory_space<hbm>>
      %dma_start3A_84 = arith.constant 8192 : i32
      %dma_start3A_85 = tpu.memref_slice %arg4[%add3A_30, %dma_start3A_84] : memref<832x16384xf32, #tpu.memory_space<hbm>> -> memref<1x4096xf32, #tpu.memory_space<hbm>>
      %dma_start3A_86 = tpu.memref_squeeze %dma_start3A_85 : memref<1x4096xf32, #tpu.memory_space<hbm>> -> memref<4096xf32, #tpu.memory_space<hbm>>
      tpu.enqueue_dma source(%arg7 : memref<4096xf32, #tpu.memory_space<vmem>>) target(%dma_start3A_86 : memref<4096xf32, #tpu.memory_space<hbm>>) target_semaphore(%arg9 : memref<!tpu.dma_semaphore, #tpu.memory_space<semaphore_mem>>)
      %dma_wait3A_87 = arith.constant 4096 : i32
      %dma_wait3A_88 = tpu.memref_slice %arg4[%add3A_30, %dma_wait3A_87] : memref<832x16384xf32, #tpu.memory_space<hbm>> -> memref<1x4096xf32, #tpu.memory_space<hbm>>
      %dma_wait3A_89 = tpu.memref_squeeze %dma_wait3A_88 : memref<1x4096xf32, #tpu.memory_space<hbm>> -> memref<4096xf32, #tpu.memory_space<hbm>>
      %dma_wait3A_90 = arith.constant 4096 : i32
      %dma_wait3A_91 = tpu.memref_slice %arg4[%add3A_30, %dma_wait3A_90] : memref<832x16384xf32, #tpu.memory_space<hbm>> -> memref<1x4096xf32, #tpu.memory_space<hbm>>
      %dma_wait3A_92 = tpu.memref_squeeze %dma_wait3A_91 : memref<1x4096xf32, #tpu.memory_space<hbm>> -> memref<4096xf32, #tpu.memory_space<hbm>>
      tpu.wait_dma2 semaphore(%arg10 : memref<!tpu.dma_semaphore, #tpu.memory_space<semaphore_mem>>) src(%arg8 : memref<4096xf32, #tpu.memory_space<vmem>>) dst(%dma_wait3A_92 : memref<4096xf32, #tpu.memory_space<hbm>>)
      %parallel_loop3A_93 = arith.constant 0 : i32
      %parallel_loop3A_94 = arith.constant 256 : i32
      %parallel_loop3A_95 = arith.constant 1 : i32
      scf.for %parallel_loop3A_120 = %parallel_loop3A_93 to %parallel_loop3A_94 step %parallel_loop3A_95  : i32 {
        %parallel_loop3A_121 = arith.constant 16 : i32
        %parallel_loop3A_122 = arith.muli %parallel_loop3A_120, %parallel_loop3A_121 : i32
        %parallel_loop3A_123 = arith.constant 12288 : i32
        %parallel_loop3A_124 = arith.addi %parallel_loop3A_123, %parallel_loop3A_122 : i32
        %parallel_loop3A_125 = arith.index_cast %parallel_loop3A_124 : i32 to index
        %parallel_loop3A_126 = tpu.vector_load %arg6[%parallel_loop3A_125] {strides = array<i32>} : memref<16384xi32, #tpu.memory_space<vmem>>, vector<16xi32>,
        %parallel_loop3A_127 = tpu.vector_load_idx %arg5[%parallel_loop3A_126] : memref<100000xf32, #tpu.memory_space<vmem>>[vector<16xi32>], vector<16xf32>,
        %parallel_loop3A_128 = arith.constant 16 : i32
        %parallel_loop3A_129 = arith.muli %parallel_loop3A_120, %parallel_loop3A_128 : i32
        %parallel_loop3A_130 = arith.index_cast %parallel_loop3A_129 : i32 to index
        %parallel_loop3A_131 = tpu.vector_load %arg8[%parallel_loop3A_130] {strides = array<i32>} : memref<4096xf32, #tpu.memory_space<vmem>>, vector<16xf32>,
        tpu.vector_store %arg8[%parallel_loop3A_130], %parallel_loop3A_127 {strides = array<i32>} : memref<4096xf32, #tpu.memory_space<vmem>>, vector<16xf32>,
      } {sc.loop_unroll_factor = 8 : i64, sc.parallel_access}
      %dma_start3A_96 = arith.constant 12288 : i32
      %dma_start3A_97 = tpu.memref_slice %arg4[%add3A_30, %dma_start3A_96] : memref<832x16384xf32, #tpu.memory_space<hbm>> -> memref<1x4096xf32, #tpu.memory_space<hbm>>
      %dma_start3A_98 = tpu.memref_squeeze %dma_start3A_97 : memref<1x4096xf32, #tpu.memory_space<hbm>> -> memref<4096xf32, #tpu.memory_space<hbm>>
      %dma_start3A_99 = arith.constant 12288 : i32
      %dma_start3A_100 = tpu.memref_slice %arg4[%add3A_30, %dma_start3A_99] : memref<832x16384xf32, #tpu.memory_space<hbm>> -> memref<1x4096xf32, #tpu.memory_space<hbm>>
      %dma_start3A_101 = tpu.memref_squeeze %dma_start3A_100 : memref<1x4096xf32, #tpu.memory_space<hbm>> -> memref<4096xf32, #tpu.memory_space<hbm>>
      tpu.enqueue_dma source(%arg8 : memref<4096xf32, #tpu.memory_space<vmem>>) target(%dma_start3A_101 : memref<4096xf32, #tpu.memory_space<hbm>>) target_semaphore(%arg10 : memref<!tpu.dma_semaphore, #tpu.memory_space<semaphore_mem>>)
      %add3A_102 = arith.constant 1 : i32
      %add3A_103 = arith.addi %scan3A_28, %add3A_102 : i32
      %lt3A = arith.constant 26 : i32
      %lt3A_104 = arith.cmpi slt, %add3A_103, %lt3A : i32
      %convert_element_type3A_105 = arith.extui %lt3A_104 : i1 to i32
      %cond3A_106 = arith.constant 0 : i32
      %cond3A_107 = arith.cmpi ne, %convert_element_type3A_105, %cond3A_106 : i32
      scf.if %cond3A_107 {
        %add3A_120 = arith.constant 1 : i32
        %add3A_121 = arith.addi %add3A_30, %add3A_120 : i32
        %dma_start3A_122 = arith.constant 0 : i32
        %dma_start3A_123 = tpu.memref_slice %arg2[%add3A_121, %dma_start3A_122] : memref<832x100000xf32, #tpu.memory_space<hbm>> -> memref<1x100000xf32, #tpu.memory_space<hbm>>
        %dma_start3A_124 = tpu.memref_squeeze %dma_start3A_123 : memref<1x100000xf32, #tpu.memory_space<hbm>> -> memref<100000xf32, #tpu.memory_space<hbm>>
        %dma_start3A_125 = arith.constant 0 : i32
        %dma_start3A_126 = tpu.memref_slice %arg2[%add3A_121, %dma_start3A_125] : memref<832x100000xf32, #tpu.memory_space<hbm>> -> memref<1x100000xf32, #tpu.memory_space<hbm>>
        %dma_start3A_127 = tpu.memref_squeeze %dma_start3A_126 : memref<1x100000xf32, #tpu.memory_space<hbm>> -> memref<100000xf32, #tpu.memory_space<hbm>>
        tpu.enqueue_dma source(%dma_start3A_127 : memref<100000xf32, #tpu.memory_space<hbm>>) target(%arg5 : memref<100000xf32, #tpu.memory_space<vmem>>) target_semaphore(%arg11 : memref<!tpu.dma_semaphore, #tpu.memory_space<semaphore_mem>>)
      } else {
      }
      %dma_wait3A_108 = arith.constant 8192 : i32
      %dma_wait3A_109 = tpu.memref_slice %arg4[%add3A_30, %dma_wait3A_108] : memref<832x16384xf32, #tpu.memory_space<hbm>> -> memref<1x4096xf32, #tpu.memory_space<hbm>>
      %dma_wait3A_110 = tpu.memref_squeeze %dma_wait3A_109 : memref<1x4096xf32, #tpu.memory_space<hbm>> -> memref<4096xf32, #tpu.memory_space<hbm>>
      %dma_wait3A_111 = arith.constant 8192 : i32
      %dma_wait3A_112 = tpu.memref_slice %arg4[%add3A_30, %dma_wait3A_111] : memref<832x16384xf32, #tpu.memory_space<hbm>> -> memref<1x4096xf32, #tpu.memory_space<hbm>>
      %dma_wait3A_113 = tpu.memref_squeeze %dma_wait3A_112 : memref<1x4096xf32, #tpu.memory_space<hbm>> -> memref<4096xf32, #tpu.memory_space<hbm>>
      tpu.wait_dma2 semaphore(%arg9 : memref<!tpu.dma_semaphore, #tpu.memory_space<semaphore_mem>>) src(%arg7 : memref<4096xf32, #tpu.memory_space<vmem>>) dst(%dma_wait3A_113 : memref<4096xf32, #tpu.memory_space<hbm>>)
      %dma_wait3A_114 = arith.constant 12288 : i32
      %dma_wait3A_115 = tpu.memref_slice %arg4[%add3A_30, %dma_wait3A_114] : memref<832x16384xf32, #tpu.memory_space<hbm>> -> memref<1x4096xf32, #tpu.memory_space<hbm>>
      %dma_wait3A_116 = tpu.memref_squeeze %dma_wait3A_115 : memref<1x4096xf32, #tpu.memory_space<hbm>> -> memref<4096xf32, #tpu.memory_space<hbm>>
      %dma_wait3A_117 = arith.constant 12288 : i32
      %dma_wait3A_118 = tpu.memref_slice %arg4[%add3A_30, %dma_wait3A_117] : memref<832x16384xf32, #tpu.memory_space<hbm>> -> memref<1x4096xf32, #tpu.memory_space<hbm>>
      %dma_wait3A_119 = tpu.memref_squeeze %dma_wait3A_118 : memref<1x4096xf32, #tpu.memory_space<hbm>> -> memref<4096xf32, #tpu.memory_space<hbm>>
      tpu.wait_dma2 semaphore(%arg10 : memref<!tpu.dma_semaphore, #tpu.memory_space<semaphore_mem>>) src(%arg8 : memref<4096xf32, #tpu.memory_space<vmem>>) dst(%dma_wait3A_119 : memref<4096xf32, #tpu.memory_space<hbm>>)
      scf.yield %select_n3A : i32
    }
    %scan3A_27 = arith.constant 26 : i32
    return
  }
}

module attributes {stable_mosaic.version = 14 : i64} {
  func.func @body(%arg0: i32, %arg1: memref<13x2048xf32, #tpu.memory_space<vmem>>, %arg2: memref<832x2048xf32, #tpu.memory_space<vmem>>, %arg3: memref<256x13xf32, #tpu.memory_space<vmem>>, %arg4: memref<256x832xf32, #tpu.memory_space<vmem>>, %arg5: memref<256x1xf32, #tpu.memory_space<vmem>>, %arg6: memref<128x256xf32, #tpu.memory_space<vmem>>, %arg7: memref<128x1xf32, #tpu.memory_space<vmem>>, %arg8: memref<1x128xf32, #tpu.memory_space<vmem>>, %arg9: memref<1x1xf32, #tpu.memory_space<vmem>>, %arg10: memref<1x2048xf32, #tpu.memory_space<vmem>>) attributes {dimension_semantics = [#tpu.dimension_semantics<arbitrary>], iteration_bounds = array<i64: 8>, scalar_prefetch = 0 : i64, scratch_operands = 0 : i64, tpu.core_type = #tpu.core_type<tc>, window_params = [{transform_indices = @transform_0, window_bounds = array<i64: 13, 2048>}, {transform_indices = @transform_1, window_bounds = array<i64: 832, 2048>}, {pipeline_mode = #tpu.pipeline_mode<synchronous>, transform_indices = @transform_2, window_bounds = array<i64: 256, 13>}, {pipeline_mode = #tpu.pipeline_mode<synchronous>, transform_indices = @transform_3, window_bounds = array<i64: 256, 832>}, {pipeline_mode = #tpu.pipeline_mode<synchronous>, transform_indices = @transform_4, window_bounds = array<i64: 256, 1>}, {pipeline_mode = #tpu.pipeline_mode<synchronous>, transform_indices = @transform_5, window_bounds = array<i64: 128, 256>}, {pipeline_mode = #tpu.pipeline_mode<synchronous>, transform_indices = @transform_6, window_bounds = array<i64: 128, 1>}, {pipeline_mode = #tpu.pipeline_mode<synchronous>, transform_indices = @transform_7, window_bounds = array<i64: 1, 128>}, {pipeline_mode = #tpu.pipeline_mode<synchronous>, transform_indices = @transform_8, window_bounds = array<i64: 1, 1>}, {transform_indices = @transform_9, window_bounds = array<i64: 1, 2048>}]} {
    %get3A = arith.constant 0 : index
    %get3A_0 = arith.constant 0 : index
    %get3A_1 = vector.load %arg1[%get3A, %get3A_0] : memref<13x2048xf32, #tpu.memory_space<vmem>>, vector<13x2048xf32>
    %get3A_2 = arith.constant 0 : index
    %get3A_3 = arith.constant 0 : index
    %get3A_4 = vector.load %arg2[%get3A_2, %get3A_3] : memref<832x2048xf32, #tpu.memory_space<vmem>>, vector<832x2048xf32>
    %reduce_sum3A = arith.constant dense<0.000000e+00> : vector<2048xf32>
    %reduce_sum3A_5 = vector.multi_reduction <add>, %get3A_1, %reduce_sum3A [0] : vector<13x2048xf32> to vector<2048xf32>
    %broadcast_in_dim3A = vector.shape_cast %reduce_sum3A_5 : vector<2048xf32> to vector<1x2048xf32>
    %reduce_sum3A_6 = arith.constant dense<0.000000e+00> : vector<2048xf32>
    %reduce_sum3A_7 = vector.multi_reduction <add>, %get3A_4, %reduce_sum3A_6 [0] : vector<832x2048xf32> to vector<2048xf32>
    %broadcast_in_dim3A_8 = vector.shape_cast %reduce_sum3A_7 : vector<2048xf32> to vector<1x2048xf32>
    %add3A = arith.addf %broadcast_in_dim3A, %broadcast_in_dim3A_8 : vector<1x2048xf32>
    %mul3A = arith.mulf %get3A_1, %get3A_1 : vector<13x2048xf32>
    %reduce_sum3A_9 = arith.constant dense<0.000000e+00> : vector<2048xf32>
    %reduce_sum3A_10 = vector.multi_reduction <add>, %mul3A, %reduce_sum3A_9 [0] : vector<13x2048xf32> to vector<2048xf32>
    %broadcast_in_dim3A_11 = vector.shape_cast %reduce_sum3A_10 : vector<2048xf32> to vector<1x2048xf32>
    %mul3A_12 = arith.mulf %get3A_4, %get3A_4 : vector<832x2048xf32>
    %reduce_sum3A_13 = arith.constant dense<0.000000e+00> : vector<2048xf32>
    %reduce_sum3A_14 = vector.multi_reduction <add>, %mul3A_12, %reduce_sum3A_13 [0] : vector<832x2048xf32> to vector<2048xf32>
    %broadcast_in_dim3A_15 = vector.shape_cast %reduce_sum3A_14 : vector<2048xf32> to vector<1x2048xf32>
    %add3A_16 = arith.addf %broadcast_in_dim3A_11, %broadcast_in_dim3A_15 : vector<1x2048xf32>
    %mul3A_17 = arith.mulf %add3A, %add3A : vector<1x2048xf32>
    %sub3A = arith.subf %mul3A_17, %add3A_16 : vector<1x2048xf32>
    %mul3A_18 = arith.constant 5.000000e-01 : f32
    %mul3A_19 = vector.broadcast %mul3A_18 : f32 to vector<1x2048xf32>
    %mul3A_20 = arith.mulf %mul3A_19, %sub3A : vector<1x2048xf32>
    %get3A_21 = arith.constant 0 : index
    %get3A_22 = arith.constant 0 : index
    %get3A_23 = vector.load %arg3[%get3A_21, %get3A_22] : memref<256x13xf32, #tpu.memory_space<vmem>>, vector<256x13xf32>
    %dot_general3A = arith.constant dense<0.000000e+00> : vector<256x2048xf32>
    %dot_general3A_24 = tpu.matmul %get3A_23, %get3A_1, %dot_general3A {dimension_numbers = #tpu.dot_dimension_numbers<[1], [0], [0], [1], [0, 0, 1, 1], [], []>, transpose_lhs_hint = false} : vector<256x13xf32>, vector<13x2048xf32>, vector<256x2048xf32> -> vector<256x2048xf32>
    %get3A_25 = arith.constant 0 : index
    %get3A_26 = arith.constant 0 : index
    %get3A_27 = vector.load %arg4[%get3A_25, %get3A_26] : memref<256x832xf32, #tpu.memory_space<vmem>>, vector<256x832xf32>
    %dot_general3A_28 = arith.constant dense<0.000000e+00> : vector<256x2048xf32>
    %dot_general3A_29 = tpu.matmul %get3A_27, %get3A_4, %dot_general3A_28 {dimension_numbers = #tpu.dot_dimension_numbers<[1], [0], [0], [1], [0, 0, 1, 1], [], []>, transpose_lhs_hint = false} : vector<256x832xf32>, vector<832x2048xf32>, vector<256x2048xf32> -> vector<256x2048xf32>
    %add3A_30 = arith.addf %dot_general3A_24, %dot_general3A_29 : vector<256x2048xf32>
    %get3A_31 = arith.constant 0 : index
    %get3A_32 = arith.constant 0 : index
    %get3A_33 = vector.load %arg5[%get3A_31, %get3A_32] : memref<256x1xf32, #tpu.memory_space<vmem>>, vector<256x1xf32>
    %add3A_34 = vector.broadcast %get3A_33 : vector<256x1xf32> to vector<256x2048xf32>
    %add3A_35 = arith.addf %add3A_30, %add3A_34 : vector<256x2048xf32>
    %max3A = arith.constant 0.000000e+00 : f32
    %max3A_36 = vector.broadcast %max3A : f32 to vector<256x2048xf32>
    %max3A_37 = arith.maximumf %add3A_35, %max3A_36 : vector<256x2048xf32>
    %get3A_38 = arith.constant 0 : index
    %get3A_39 = arith.constant 0 : index
    %get3A_40 = vector.load %arg6[%get3A_38, %get3A_39] : memref<128x256xf32, #tpu.memory_space<vmem>>, vector<128x256xf32>
    %dot_general3A_41 = arith.constant dense<0.000000e+00> : vector<128x2048xf32>
    %dot_general3A_42 = tpu.matmul %get3A_40, %max3A_37, %dot_general3A_41 {dimension_numbers = #tpu.dot_dimension_numbers<[1], [0], [0], [1], [0, 0, 1, 1], [], []>, transpose_lhs_hint = false} : vector<128x256xf32>, vector<256x2048xf32>, vector<128x2048xf32> -> vector<128x2048xf32>
    %get3A_43 = arith.constant 0 : index
    %get3A_44 = arith.constant 0 : index
    %get3A_45 = vector.load %arg7[%get3A_43, %get3A_44] : memref<128x1xf32, #tpu.memory_space<vmem>>, vector<128x1xf32>
    %add3A_46 = vector.broadcast %get3A_45 : vector<128x1xf32> to vector<128x2048xf32>
    %add3A_47 = arith.addf %dot_general3A_42, %add3A_46 : vector<128x2048xf32>
    %max3A_48 = arith.constant 0.000000e+00 : f32
    %max3A_49 = vector.broadcast %max3A_48 : f32 to vector<128x2048xf32>
    %max3A_50 = arith.maximumf %add3A_47, %max3A_49 : vector<128x2048xf32>
    %get3A_51 = arith.constant 0 : index
    %get3A_52 = arith.constant 0 : index
    %get3A_53 = vector.load %arg8[%get3A_51, %get3A_52] : memref<1x128xf32, #tpu.memory_space<vmem>>, vector<1x128xf32>
    %dot_general3A_54 = arith.constant dense<0.000000e+00> : vector<1x2048xf32>
    %dot_general3A_55 = tpu.matmul %get3A_53, %max3A_50, %dot_general3A_54 {dimension_numbers = #tpu.dot_dimension_numbers<[1], [0], [0], [1], [0, 0, 1, 1], [], []>, transpose_lhs_hint = false} : vector<1x128xf32>, vector<128x2048xf32>, vector<1x2048xf32> -> vector<1x2048xf32>
    %get3A_56 = arith.constant 0 : index
    %get3A_57 = arith.constant 0 : index
    %get3A_58 = vector.load %arg9[%get3A_56, %get3A_57] : memref<1x1xf32, #tpu.memory_space<vmem>>, vector<1x1xf32>
    %add3A_59 = vector.broadcast %get3A_58 : vector<1x1xf32> to vector<1x2048xf32>
    %add3A_60 = arith.addf %dot_general3A_55, %add3A_59 : vector<1x2048xf32>
    %add3A_61 = arith.addf %mul3A_20, %add3A_60 : vector<1x2048xf32>
    %neg3A = arith.constant 0.000000e+00 : f32
    %neg3A_62 = vector.broadcast %neg3A : f32 to vector<1x2048xf32>
    %neg3A_63 = arith.subf %neg3A_62, %add3A_61 : vector<1x2048xf32>
    %exp3A = math.exp %neg3A_63 : vector<1x2048xf32>
    %add3A_64 = arith.constant 1.000000e+00 : f32
    %add3A_65 = vector.broadcast %add3A_64 : f32 to vector<1x2048xf32>
    %add3A_66 = arith.addf %add3A_65, %exp3A : vector<1x2048xf32>
    %div3A = arith.constant 1.000000e+00 : f32
    %div3A_67 = vector.broadcast %div3A : f32 to vector<1x2048xf32>
    %div3A_68 = arith.divf %div3A_67, %add3A_66 : vector<1x2048xf32>
    %swap3A = arith.constant 0 : index
    %swap3A_69 = arith.constant 0 : index
    %swap3A_70 = vector.load %arg10[%swap3A, %swap3A_69] : memref<1x2048xf32, #tpu.memory_space<vmem>>, vector<1x2048xf32>
    tpu.vector_store %arg10[%swap3A, %swap3A_69], %div3A_68 {strides = array<i32>} : memref<1x2048xf32, #tpu.memory_space<vmem>>, vector<1x2048xf32>,
    return
  }
  func.func @transform_0(%arg0: i32) -> (i32, i32) {
    %c0_i32 = arith.constant 0 : i32
    %c0_i32_0 = arith.constant 0 : i32
    return %c0_i32, %arg0 : i32, i32
  }
  func.func @transform_1(%arg0: i32) -> (i32, i32) {
    %c0_i32 = arith.constant 0 : i32
    %c0_i32_0 = arith.constant 0 : i32
    return %c0_i32, %arg0 : i32, i32
  }
  func.func @transform_2(%arg0: i32) -> (i32, i32) {
    %c0_i32 = arith.constant 0 : i32
    %c0_i32_0 = arith.constant 0 : i32
    %c0_i32_1 = arith.constant 0 : i32
    return %c0_i32, %c0_i32_0 : i32, i32
  }
  func.func @transform_3(%arg0: i32) -> (i32, i32) {
    %c0_i32 = arith.constant 0 : i32
    %c0_i32_0 = arith.constant 0 : i32
    %c0_i32_1 = arith.constant 0 : i32
    return %c0_i32, %c0_i32_0 : i32, i32
  }
  func.func @transform_4(%arg0: i32) -> (i32, i32) {
    %c0_i32 = arith.constant 0 : i32
    %c0_i32_0 = arith.constant 0 : i32
    %c0_i32_1 = arith.constant 0 : i32
    return %c0_i32, %c0_i32_0 : i32, i32
  }
  func.func @transform_5(%arg0: i32) -> (i32, i32) {
    %c0_i32 = arith.constant 0 : i32
    %c0_i32_0 = arith.constant 0 : i32
    %c0_i32_1 = arith.constant 0 : i32
    return %c0_i32, %c0_i32_0 : i32, i32
  }
  func.func @transform_6(%arg0: i32) -> (i32, i32) {
    %c0_i32 = arith.constant 0 : i32
    %c0_i32_0 = arith.constant 0 : i32
    %c0_i32_1 = arith.constant 0 : i32
    return %c0_i32, %c0_i32_0 : i32, i32
  }
  func.func @transform_7(%arg0: i32) -> (i32, i32) {
    %c0_i32 = arith.constant 0 : i32
    %c0_i32_0 = arith.constant 0 : i32
    %c0_i32_1 = arith.constant 0 : i32
    return %c0_i32, %c0_i32_0 : i32, i32
  }
  func.func @transform_8(%arg0: i32) -> (i32, i32) {
    %c0_i32 = arith.constant 0 : i32
    %c0_i32_0 = arith.constant 0 : i32
    %c0_i32_1 = arith.constant 0 : i32
    return %c0_i32, %c0_i32_0 : i32, i32
  }
  func.func @transform_9(%arg0: i32) -> (i32, i32) {
    %c0_i32 = arith.constant 0 : i32
    %c0_i32_0 = arith.constant 0 : i32
    return %c0_i32, %arg0 : i32, i32
  }
}

</mosaic_0001>

<sc_bundles>
// kernel: kernel.4.cloned.1.call-start
scs
__scs_entry_jumppad:
0x0: {  	(pc) =	sbr.rel $0x88, $3  }
0x1: {  	(tag) =	ssettag $0x0;
	lr =	simm.s32 $0x1  }
0x2: {  	[smem:$0x3F98] =	sst lr;
	_ =	strace $0xD0000000  }
0x3: {  	_ = 	snop  }
0x4: {  	_ = 	snop  }
0x5: {  	_ = 	snop  }
0x6: {  	_ = 	snop  }
0x7: {  	_ = 	snop  }
__scs_overlays_trampoline_lowered:
0x8: {  	[smem:$0x3FA7] =	sst s0  }
0x9: {  	[smem:$0x3FA8] =	sst s1  }
0xa: {  	[smem:$0x3FA9] =	sst s2  }
0xb: {  	[smem:$0x3FAA] =	sst s3  }
0xc: {  	[smem:$0x3FAB] =	sst s4  }
0xd: {  	[smem:$0x3FAC] =	sst s5  }
0xe: {  	[smem:$0x3FAD] =	sst s6  }
0xf: {  	[smem:$0x3FAE] =	sst s7  }
0x10: {  	[smem:$0x3FAF] =	sst s8  }
0x11: {  	[smem:$0x3FB0] =	sst s9;
	s0 =	simm.s32 @!p0 $0x0  }
0x12: {  	s1 =	sld [smem:$0x3F96];
	s0 =	simm.s32 @p0 $0x1  }
0x13: {  	[smem:$0x3FB1] =	sst s0;
	s0 =	simm.s32 @!p1 $0x0  }
0x14: {  	s2 =	sld [smem:$0x3F95];
	s0 =	simm.s32 @p1 $0x1  }
0x15: {  	[smem:$0x3FB2] =	sst s0;
	s0 =	simm.s32 @!p2 $0x0  }
0x16: {  	s3 =	sld [smem:$0x3FDB];
	s0 =	simm.s32 @p2 $0x1  }
0x17: {  	s4 =	simm.s32 $0x1BF5;
	[smem:$0x3FB4] =	sst s0  }
0x18: {  	s0 =	sld [smem:$0x3F97];
	_ =	swait.ge [sflag:s4], $0x0  }
0x19: {  	s7 =	sld [smem:$0x3F98]  }
0x1a: {  	s8 =	sadd.s32 $0xFFFFE003, lr  }
0x1b: {  	s9 =	sadd.s32 $0xFFFFFEF7, lr;
	s5 =	simm.s32 $0xFFFFFFFF;
	p2 =	slt.u32 s8, $0xFFFFF086  }
0x1c: {  	p1 =	slt.u32 s9, $0xF7A;
	s5 =	simm.s32 @!p2 $0x0  }
0x1d: {  	s5 =	simm.s32 @p1 $0x1;
	p0 =	seq.s32 s7, s2  }
0x1e: {  	s7 =	smul.u32 @!p0 $0xF7A, s2;
	p2 =	seq.s32 @!p0 s5, $0x0  }
0x1f: {  	s9 =	smul.u32 $0xF7A, s1;
	s8 =	simm.s32 @!p0 $0x1BF5;
	p2 =	por !p2, p0  }
0x20: {  	[sflag:s8] =	ssyncset.s32 @!p0 $0xFFFFF086;
	s6 =	sadd.s32 @!p0 s3, s7;
	s7 =	simm.s32 @!p0 $0x108  }
0x21: {  	s3 =	sadd.s32 s3, s9;
	s6 =	sadd.s32 @!p0 $0x88, s6;
	s7 =	simm.s32 @p2 $0x1082  }
0x22: {  	[simem:s7], [sflag:s8] =	dma.local @!p0 [hbm:s6], $0xF7A  }
0x23: {  	s9 =	sor.u32 $0xD0000000, s2;
	s6 =	simm.s32 $0x108;
	_ =	swait.ge @!p0 [sflag:s8], $0x0  }
0x24: {  	s3 =	sadd.s32 $0x88, s3;
	s6 =	simm.s32 @!p1 $0x1082;
	[sflag:s4] =	ssyncset.s32 $0xFFFFF086  }
0x25: {  	[simem:s6], [sflag:s4] =	dma.local [hbm:s3], $0xF7A  }
0x26: {  	[smem:$0x3F98] =	sst s1;
	(tag) =	ssettag s2;
	_ =	strace s9  }
0x27: {  	s1 =	sld [smem:$0x3FA8]  }
0x28: {  	s2 =	sld [smem:$0x3FA9]  }
0x29: {  	s4 =	sld [smem:$0x3FAB]  }
0x2a: {  	p0 =	seq.s32 s5, $0x0;
	s5 =	sld [smem:$0x3FAC]  }
0x2b: {  	s6 =	sld [smem:$0x3FAD]  }
0x2c: {  	s7 =	sld [smem:$0x3FAE]  }
0x2d: {  	s3 =	simm.s32 $0x108;
	s8 =	sld [smem:$0x3FAF]  }
0x2e: {  	s3 =	simm.s32 @!p0 $0x1082;
	s9 =	sld [smem:$0x3FB0]  }
0x2f: {  	lr =	sadd.s32 s0, s3;
	s0 =	sld [smem:$0x3FA7]  }
0x30: {  	s3 =	sld [smem:$0x3FAA]  }
0x31: {  	[smem:$0x3FB3] =	sst s10  }
0x32: {  	s10 =	sld [smem:$0x3FB1];
	_ =	sdelay $0x3  }
0x33: {  	p0 =	seq.s32 s10, $0x1;
	s10 =	sld [smem:$0x3FB3];
	_ =	sdelay $0x3  }
0x34: {  	[smem:$0x3FB3] =	sst s10  }
0x35: {  	s10 =	sld [smem:$0x3FB2];
	_ =	sdelay $0x3  }
0x36: {  	p1 =	seq.s32 s10, $0x1;
	s10 =	sld [smem:$0x3FB3];
	_ =	sdelay $0x3  }
0x37: {  	[smem:$0x3FB3] =	sst s10  }
0x38: {  	s10 =	sld [smem:$0x3FB4]  }
0x39: {  	_ = 	snop;
	(pc) =	sbr.ind lr, $3  }
0x3a: {  	_ = 	snop  }
0x3b: {  	_ = 	snop  }
0x3c: {  	p2 =	seq.s32 s10, $0x1;
	s10 =	sld [smem:$0x3FB3]  }
0x3d: {  	_ =	shalt  }
0x3e: {  	_ =	shalt  }
0x3f: {  	_ =	shalt  }
0x40: {  	_ =	shalt  }
0x41: {  	_ =	shalt  }
0x42: {  	_ =	shalt  }
0x43: {  	_ =	shalt  }
0x44: {  	_ =	shalt  }
0x45: {  	_ =	shalt  }
0x46: {  	_ =	shalt  }
0x47: {  	_ =	shalt  }
0x48: {  	_ =	shalt  }
0x49: {  	_ =	shalt  }
0x4a: {  	_ =	shalt  }
0x4b: {  	_ =	shalt  }
0x4c: {  	_ =	shalt  }
0x4d: {  	_ =	shalt  }
0x4e: {  	_ =	shalt  }
0x4f: {  	_ =	shalt  }
0x50: {  	_ =	shalt  }
0x51: {  	_ =	shalt  }
0x52: {  	_ =	shalt  }
0x53: {  	_ =	shalt  }
0x54: {  	_ =	shalt  }
0x55: {  	_ =	shalt  }
0x56: {  	_ =	shalt  }
0x57: {  	_ =	shalt  }
0x58: {  	_ =	shalt  }
0x59: {  	_ =	shalt  }
0x5a: {  	_ =	shalt  }
0x5b: {  	_ =	shalt  }
0x5c: {  	_ =	shalt  }
0x5d: {  	_ =	shalt  }
0x5e: {  	_ =	shalt  }
0x5f: {  	_ =	shalt  }
0x60: {  	_ =	shalt  }
0x61: {  	_ =	shalt  }
0x62: {  	_ =	shalt  }
0x63: {  	_ =	shalt  }
0x64: {  	_ =	shalt  }
0x65: {  	_ =	shalt  }
0x66: {  	_ =	shalt  }
0x67: {  	_ =	shalt  }
0x68: {  	_ =	shalt  }
0x69: {  	_ =	shalt  }
0x6a: {  	_ =	shalt  }
0x6b: {  	_ =	shalt  }
0x6c: {  	_ =	shalt  }
0x6d: {  	_ =	shalt  }
0x6e: {  	_ =	shalt  }
0x6f: {  	_ =	shalt  }
0x70: {  	_ =	shalt  }
0x71: {  	_ =	shalt  }
0x72: {  	_ =	shalt  }
0x73: {  	_ =	shalt  }
0x74: {  	_ =	shalt  }
0x75: {  	_ =	shalt  }
0x76: {  	_ =	shalt  }
0x77: {  	_ =	shalt  }
0x78: {  	_ =	shalt  }
0x79: {  	_ =	shalt  }
0x7a: {  	_ =	shalt  }
0x7b: {  	_ =	shalt  }
0x7c: {  	_ =	shalt  }
0x7d: {  	_ =	shalt  }
0x7e: {  	_ =	shalt  }
0x7f: {  	_ =	shalt  }
0x80: {  	_ =	shalt  }
0x81: {  	_ =	shalt  }
0x82: {  	_ =	shalt  }
0x83: {  	_ =	shalt  }
0x84: {  	_ =	shalt  }
0x85: {  	_ =	shalt  }
0x86: {  	_ =	shalt  }
0x87: {  	_ =	shalt  }
.Lfunc_end0:
.L_simem_size_0:
called_computation_lowered:
.L_overlay_start_0:
0x88: {  	s2 =	sld [smem:$0x3FD9]  }
0x89: {  	s3 =	sld [smem:$0x3FFE];
	_ =	sdelay $0x1  }
0x8a: {  	s1 =	srdreg.scid  }
0x8b: {  	s0 =	sand.u32 $0x1, s1  }
0x8c: {  	s17 =	sshll.u32 s0, $0xA;
	s2 =	sadd.s32 s3, s2  }
0x8d: {  	s2 =	sadd.s32 s2, s17  }
0x8e: {  	[smem:$0x3FBF] =	sst s2  }
0x8f: {  	_ = 	snop  }
0x90: {  	s2 =	sld [smem:$0x3FC8]  }
0x91: {  	s18 =	sld [smem:$0x3FC7];
	(tm) =	ssettm $0x1  }
0x92: {  	s4 =	sld [smem:$0x3FFB];
	_ =	sdelay $0x3  }
0x93: {  	_ =	strace s4  }
0x94: {  	s4 =	sld [smem:$0x3FFC];
	_ =	sdelay $0x3  }
0x95: {  	_ =	strace s4  }
0x96: {  	s4 =	sld [smem:$0x3FFD];
	_ =	sdelay $0x3  }
0x97: {  	_ =	strace s4  }
0x98: {  	_ =	strace $0x8FFFFFFF  }
0x99: {  	s19 =	sld [smem:$0x3FDB];
	_ =	sdelay $0x1  }
0x9a: {  	s5 =	simm.s32 $_scs_section_size  }
0x9b: {  	s6 =	simm.s32 $_size__tile_overlayer_lowered;
	s7 =	simm.s32 $_tile_overlayer_lowered  }
0x9c: {  	s22 =	simm.s32 $0x1BFF;
	s21 =	sshll.u32 s7, $0x1;
	s4 =	sadd.s32 s5, s19  }
0x9d: {  	s8 =	simm.s32 $0x0;
	s20 =	sshll.u32 s6, $0x1;
	s6 =	sadd.s32 s21, s4  }
0x9e: {  	[timem:s8], [sflag:s22] =	dma.local [hbm:s6], s20  }
0x9f: {  	_ =	swait.ge [sflag:s22], s20  }
0xa0: {  	s5 =	ssub.s32 $0x0, s20;
	[sflag:s22] =	ssyncset.done $0x0  }
0xa1: {  	[sflag:s22] =	ssyncadd.s32 s5;
	_ =	sdelay $0x1  }
0xa2: {  	s23 =	simm.s32 $0x1B8B  }
0xa3: {  	_ =	swait.ge [sflag:s23], $0x1  }
0xa4: {  	[sflag:s23] =	ssyncset.done $0x0  }
0xa5: {  	s25 =	simm.s32 $0x1B8E;
	s24 =	sld [smem:$0x3FFE];
	[sflag:s23] =	ssyncadd.s32 $0xFFFFFFFF  }
0xa6: {  	s26 =	simm.s32 $execute0_lowered;
	[smem:$0x3FD2] =	sst s25  }
0xa7: {  	s6 =	sshll.u32 s26, $0x1;
	_ =	strace $0x80000046;
	[dreg:$0x1] =	wrdreg $0xFFFFFFFF  }
0xa8: {  	s28 =	simm.s32 $_size_execute0_lowered;
	s4 =	sadd.s32 s4, s6;
	[dreg:$0x0] =	wrdreg $0x0  }
0xa9: {  	s6 =	sshll.u32 s28, $0x1;
	[dreg:$0x2] =	wrdreg s4  }
0xaa: {  	[dreg:$0x3] =	wrdreg s6  }
0xab: {  	[dreg:$0x4] =	wrdreg $0xC0  }
0xac: {  	_ =	task [dreg:s8], $0x5FFFF  }
0xad: {  	[dreg:$0x1] =	wrdreg $0xFFFFFFFF  }
0xae: {  	[dreg:$0x0] =	wrdreg $0x60  }
0xaf: {  	[dreg:$0x2] =	wrdreg s18  }
0xb0: {  	[dreg:$0x3] =	wrdreg s2  }
0xb1: {  	[dreg:$0x4] =	wrdreg s24  }
0xb2: {  	[dreg:$0x5] =	wrdreg $0x9  }
0xb3: {  	_ =	task.clear_ibuf [dreg:s8], $0x6FFFF;
	_ =	strace $0x90000046  }
0xb4: {  	s29 =	simm.s32 $0x9;
	_ =	strace $0x80000048  }
0xb5: {  	_ =	swait.ge [sflag:s29], $0x1  }
0xb6: {  	[sflag:s29] =	ssyncadd.s32 $0xFFFFFFFF  }
0xb7: {  	_ =	strace $0x90000048  }
0xb8: {  	_ =	sfence  }
0xb9: {  	s30 =	sld [smem:$0x0];
	_ =	sdelay $0x2  }
0xba: {  	s31 =	sshll.u32 s1, $0xD;
	s1 =	sshrl.u32 s1, $0x2  }
0xbb: {  	s3 =	sand.u32 $0x4000, s31;
	s1 =	sadd.s32 s1, s30  }
0xbc: {  	s0 =	sor.u32 s3, s0;
	s1 =	sshll.u32 s1, $0x11  }
0xbd: {  	s0 =	sor.u32 s1, s0  }
0xbe: {  	s0 =	sadd.s32 $0x8F2B, s0  }
0xbf: {  	[sflag:s0] =	ssyncadd.remote.s32 $0x1  }
0xc0: {  	_ =	sfence.sel $0xFFFF  }
0xc1: {  	[dreg:$0x0] =	wrdreg $0xFFFFFFFF;
	(pc) =	sbr.abs _section_cstart, $3  }
0xc2: {  	[dreg:$0x1] =	wrdreg $0xFFFFFFFF  }
0xc3: {  	_ =	task.clear_ibuf [dreg:s8], $0x2FFFF;
	_ =	strace $0x9FFFFFFF  }
0xc4: {  	(tm) =	ssettm $0x7FFFFFFF  }
0xc5: {  	_ =	shalt  }
tec
execute0_lowered:
.L_overlay_start_1:
0x0: {  	(tag) =	ssettag $0x1  }
0x1: {  	s1 =	rddreg [dreg:$0x0]  }
0x2: {  	s2 =	rddreg [dreg:$0x1]  }
0x3: {  	s10 =	rddreg [dreg:$0x2]  }
0x4: {  	s0 =	rddreg [dreg:$0x3]  }
0x5: {  	s5 =	srdreg.scid;
	s3 =	stileid.u32  }
0x6: {  	s4 =	simm.s32 $0x0;
	s15 =	simm.s32 $0x1C700;
	s16 =	simm.s32 $0x1D700  }
0x7: {  	s18 =	simm.s32 $0x2;
	s19 =	simm.s32 $0x0;
	s7 =	sand.u32 $0x1, s5  }
0x8: {  	s29 =	sshll.u32 s3, $0x1;
	[smem:$0x7FF] =	sst s4;
	s6 =	sshll.u32 s3, $0x7  }
0x9: {  	p0 =	seq.s32 s3, $0x0;
	s9 =	sadd.s32 $0xFFFFFFFF, s6;
	s11 =	sadd.s32 $0xFFFFFFFE, s6  }
0xa: {  	s8 =	sor.u32 s7, s29;
	_ =	strace $0x80000047;
	s12 =	smul.u32 s11, s9  }
0xb: {  	s6 =	sadd.s32 $0x1000, s10;
	s7 =	ssub.s32 $0x2, s7;
	s11 =	smulhi.u32 s11, s9  }
0xc: {  	s5 =	smul.u32 $0x1A, s8;
	s14 =	sshrl.u32 s7, $0x1;
	s8 =	sshll.u32 s8, $0x8  }
0xd: {  	s8 =	sand.u32 $0x300, s8;
	s11 =	sshll.u32 s11, $0x1F;
	s12 =	sshrl.u32 s12, $0x1  }
0xe: {  	s14 =	ssub.s32 s7, s14;
	s13 =	sshrl.u32 s5, $0x3;
	s31 =	sor.u32 s11, s12  }
0xf: {  	s13 =	smul.u32 $0xC3800, s13;
	s11 =	smax.u32 s14, $0x1;
	s9 =	sadd.s32 s31, s9  }
0x10: {  	s12 =	simm.s32 $0x80;
	s14 =	simm.s32 $0x3;
	s17 =	scvt.s32.f32 s9  }
0x11: {  	s30 =	sor.u32 s8, s13;
	s8 =	sadd.s32 $0x2000, s10;
	s9 =	sadd.s32 $0x3000, s10  }
0x12: {  	s10 =	sadd.s32 $0x4000, s10;
	s7 =	sshrl.u32 s30, $0x3;
	s17 =	simm.s32 @p0 $0x0  }
0x13: {  	s13 =	simm.s32 $0x400;
	s7 =	sadd.s32 s1, s7;
	v0 =	vmov s17;
	s17 =	simm.s32 $0x1  }
.LBB2_1:
0x14: {  	[tilespmem:$0x1C700] =	vst v0;
	s20 =	simm.s32 $0xFFFFFFFF;
	s21 =	simm.s32 $0x0  }
0x15: {  	[tilespmem:s4], [sflag:$0x3] =	stream.strided.gather [hbm4b:s7+s12], $0x18700, s13, s12, $0x38;
	[tilespmem:$0x1E700] =	vst v63  }
.LBB2_2:
0x16: {  	s22 =	sadd.s32 s5, s21  }
0x17: {  	s23 =	smov.u32 s20;
	s20 =	sshrl.u32 s22, $0x5  }
0x18: {  	p0 =	seq.s32 s20, s23  }
0x19: {  	s23 =	sshll.u32 @!p0 s20, $0x4  }
0x1a: {  	s24 =	sshll.u32 @!p0 s20, $0xB;
	s23 =	sand.u32 @!p0 $0x70, s23  }
0x1b: {  	s25 =	simm.s32 @!p0 $0x400;
	s24 =	sand.u32 @!p0 $0xFFFC000, s24;
	s23 =	sadd.s32 @!p0 s2, s23  }
0x1c: {  	s26 =	simm.s32 @!p0 $0x18700;
	s23 =	sadd.s32 @!p0 s24, s23;
	s24 =	simm.s32 @!p0 $0x80  }
0x1d: {  	[tilespmem:s26], [sflag:$0x4] =	stream.strided.gather @!p0 [hbm4b:s23+s24], $0x4000, s25, s24, $0x38;
	[tilespmem:$0x1E700] =	vst v63  }
0x1e: {  	s23 =	simm.s32 @!p0 $0x4  }
0x1f: {  	_ =	swait.ge @!p0 [sflag:s23], $0x4000  }
0x20: {  	[sflag:s23] =	ssyncset.done @!p0 $0x0  }
0x21: {  	[sflag:s23] =	ssyncadd.s32 @!p0 $0xFFFFC000  }
0x22: {  	_ =	swait.ge [sflag:s14], $0x18700  }
0x23: {  	[sflag:s14] =	ssyncset.done $0x0  }
0x24: {  	s31 =	simm.s32 $0x18740;
	[sflag:s14] =	ssyncadd.s32 $0xFFFE7900  }
0x25: {  	v1 =	vld [tilespmem:s31+$0x30]  }
0x26: {  	v2 =	vld [tilespmem:s31+$0xFFFFFFD0]  }
0x27: {  	v3 =	vld [tilespmem:s31+$0xFFFFFFE0]  }
0x28: {  	v4 =	vld [tilespmem:s31+$0xFFFFFFF0]  }
0x29: {  	v7 =	vld [tilespmem:s31+$0x0]  }
0x2a: {  	v8 =	vld [tilespmem:s31+$0x10]  }
0x2b: {  	v9 =	vld [tilespmem:s31+$0x20]  }
0x2c: {  	v10 =	vld [tilespmem:s31+$0xFFFFFFC0]  }
0x2d: {  	v11 =	vld.idx.msk [tilespmem:v1+s4+$0x0], $0xffff  }
0x2e: {  	v12 =	vld.idx.msk [tilespmem:v2+s4+$0x0], $0xffff  }
0x2f: {  	v6 =	vld.idx.msk [tilespmem:v3+s4+$0x0], $0xffff  }
0x30: {  	v5 =	vld.idx.msk [tilespmem:v4+s4+$0x0], $0xffff  }
0x31: {  	v4 =	vld.idx.msk [tilespmem:v7+s4+$0x0], $0xffff  }
0x32: {  	s24 =	simm.s32 $0x1C740;
	v3 =	vld.idx.msk [tilespmem:v8+s4+$0x0], $0xffff  }
0x33: {  	v1 =	vld.idx.msk [tilespmem:v9+s4+$0x0], $0xffff;
	[tilespmem:s24+$0x30] =	vst v11  }
0x34: {  	s25 =	simm.s32 $0x187C0;
	s23 =	simm.s32 $0x0;
	v2 =	vld.idx.msk [tilespmem:v10+s4+$0x0], $0xffff;
	[tilespmem:s24+$0xFFFFFFD0] =	vst v12  }
.LBB2_3:
0x35: {  	v7 =	vld [tilespmem:s25+$0x30];
	s23 =	sadd.s32 $0x8, s23;
	[tilespmem:s24+$0xFFFFFFE0] =	vst v6  }
0x36: {  	v6 =	vld [tilespmem:s25+$0xFFFFFFD0];
	p0 =	slt.u32 s23, $0xF8;
	[tilespmem:s24+$0xFFFFFFF0] =	vst v5  }
0x37: {  	v5 =	vld [tilespmem:s25+$0xFFFFFFE0];
	[tilespmem:s24+$0x0] =	vst v4  }
0x38: {  	v4 =	vld [tilespmem:s25+$0xFFFFFFF0];
	[tilespmem:s24+$0x10] =	vst v3  }
0x39: {  	v3 =	vld [tilespmem:s25+$0x0];
	[tilespmem:s24+$0x20] =	vst v1  }
0x3a: {  	v1 =	vld [tilespmem:s25+$0x10];
	[tilespmem:s24+$0xFFFFFFC0] =	vst v2  }
0x3b: {  	v2 =	vld [tilespmem:s25+$0x20]  }
0x3c: {  	v8 =	vld [tilespmem:s25+$0xFFFFFFC0]  }
0x3d: {  	v7 =	vld.idx.msk [tilespmem:v7+s4+$0x0], $0xffff  }
0x3e: {  	v9 =	vld.idx.msk [tilespmem:v6+s4+$0x0], $0xffff  }
0x3f: {  	v6 =	vld.idx.msk [tilespmem:v5+s4+$0x0], $0xffff  }
.Ltmp0:
0x40: {  	v5 =	vld.idx.msk [tilespmem:v4+s4+$0x0], $0xffff;
	(pc) =	sbr.rel @p0 .LBB2_3-.Ltmp0, $4  }
0x41: {  	v4 =	vld.idx.msk [tilespmem:v3+s4+$0x0], $0xffff  }
0x42: {  	s24 =	sadd.s32 $0x80, s24;
	v3 =	vld.idx.msk [tilespmem:v1+s4+$0x0], $0xffff  }
0x43: {  	v1 =	vld.idx.msk [tilespmem:v2+s4+$0x0], $0xffff;
	[tilespmem:s24+$0x30] =	vst v7  }
0x44: {  	s25 =	sadd.s32 $0x80, s25;
	v2 =	vld.idx.msk [tilespmem:v8+s4+$0x0], $0xffff;
	[tilespmem:s24+$0xFFFFFFD0] =	vst v9  }
0x45: {  	[tilespmem:s24+$0xFFFFFFE0] =	vst v6  }
0x46: {  	[tilespmem:s24+$0xFFFFFFF0] =	vst v5  }
0x47: {  	s23 =	sshll.u32 s22, $0x4;
	s25 =	sshll.u32 s22, $0xB;
	[tilespmem:s24+$0x0] =	vst v4  }
0x48: {  	s23 =	sand.u32 $0x70, s23;
	s25 =	sand.u32 $0xFFFC000, s25;
	[tilespmem:s24+$0x10] =	vst v3  }
0x49: {  	s23 =	sor.u32 s23, s25;
	[tilespmem:s24+$0x20] =	vst v1  }
0x4a: {  	s31 =	simm.s32 $0x19770;
	s30 =	sadd.s32 s6, s23;
	[tilespmem:s24+$0xFFFFFFC0] =	vst v2  }
0x4b: {  	[hbm4b:s30+s12] =	stream.strided.scatter [tilespmem:s15], [sflag:$0x1], $0x1000, s13, s12, $0x38;
	[tilespmem:$0x1E700] =	vst v63  }
0x4c: {  	v1 =	vld [tilespmem:s31+$0x0]  }
0x4d: {  	v2 =	vld [tilespmem:s31+$0xFFFFFFA0]  }
0x4e: {  	v3 =	vld [tilespmem:s31+$0xFFFFFFB0]  }
0x4f: {  	v4 =	vld [tilespmem:s31+$0xFFFFFFC0]  }
0x50: {  	v5 =	vld [tilespmem:s31+$0xFFFFFFD0]  }
0x51: {  	v7 =	vld [tilespmem:s31+$0xFFFFFFE0]  }
0x52: {  	v8 =	vld [tilespmem:s31+$0xFFFFFFF0]  }
0x53: {  	v9 =	vld [tilespmem:s31+$0xFFFFFF90]  }
0x54: {  	v10 =	vld.idx.msk [tilespmem:v1+s4+$0x0], $0xffff  }
0x55: {  	v11 =	vld.idx.msk [tilespmem:v2+s4+$0x0], $0xffff  }
0x56: {  	v6 =	vld.idx.msk [tilespmem:v3+s4+$0x0], $0xffff  }
0x57: {  	v4 =	vld.idx.msk [tilespmem:v4+s4+$0x0], $0xffff  }
0x58: {  	v1 =	vld.idx.msk [tilespmem:v5+s4+$0x0], $0xffff  }
0x59: {  	s24 =	simm.s32 $0x1D740;
	v2 =	vld.idx.msk [tilespmem:v7+s4+$0x0], $0xffff  }
0x5a: {  	v3 =	vld.idx.msk [tilespmem:v8+s4+$0x0], $0xffff;
	[tilespmem:s24+$0x30] =	vst v10  }
0x5b: {  	s26 =	simm.s32 $0x197F0;
	s25 =	simm.s32 $0x0;
	v5 =	vld.idx.msk [tilespmem:v9+s4+$0x0], $0xffff;
	[tilespmem:s24+$0xFFFFFFD0] =	vst v11  }
.LBB2_5:
0x5c: {  	v7 =	vld [tilespmem:s26+$0x0];
	s25 =	sadd.s32 $0x8, s25;
	[tilespmem:s24+$0xFFFFFFE0] =	vst v6  }
0x5d: {  	v6 =	vld [tilespmem:s26+$0xFFFFFFA0];
	p0 =	slt.u32 s25, $0xF8;
	[tilespmem:s24+$0xFFFFFFF0] =	vst v4  }
0x5e: {  	v4 =	vld [tilespmem:s26+$0xFFFFFFB0];
	[tilespmem:s24+$0x0] =	vst v1  }
0x5f: {  	v1 =	vld [tilespmem:s26+$0xFFFFFFC0];
	[tilespmem:s24+$0x10] =	vst v2  }
0x60: {  	v2 =	vld [tilespmem:s26+$0xFFFFFFD0];
	[tilespmem:s24+$0x20] =	vst v3  }
0x61: {  	v3 =	vld [tilespmem:s26+$0xFFFFFFE0];
	[tilespmem:s24+$0xFFFFFFC0] =	vst v5  }
0x62: {  	v5 =	vld [tilespmem:s26+$0xFFFFFFF0]  }
0x63: {  	v8 =	vld [tilespmem:s26+$0xFFFFFF90]  }
0x64: {  	v7 =	vld.idx.msk [tilespmem:v7+s4+$0x0], $0xffff  }
0x65: {  	v9 =	vld.idx.msk [tilespmem:v6+s4+$0x0], $0xffff  }
0x66: {  	v6 =	vld.idx.msk [tilespmem:v4+s4+$0x0], $0xffff  }
.Ltmp1:
0x67: {  	v4 =	vld.idx.msk [tilespmem:v1+s4+$0x0], $0xffff;
	(pc) =	sbr.rel @p0 .LBB2_5-.Ltmp1, $4  }
0x68: {  	v1 =	vld.idx.msk [tilespmem:v2+s4+$0x0], $0xffff  }
0x69: {  	s24 =	sadd.s32 $0x80, s24;
	v2 =	vld.idx.msk [tilespmem:v3+s4+$0x0], $0xffff  }
0x6a: {  	v3 =	vld.idx.msk [tilespmem:v5+s4+$0x0], $0xffff;
	[tilespmem:s24+$0x30] =	vst v7  }
0x6b: {  	s26 =	sadd.s32 $0x80, s26;
	v5 =	vld.idx.msk [tilespmem:v8+s4+$0x0], $0xffff;
	[tilespmem:s24+$0xFFFFFFD0] =	vst v9  }
0x6c: {  	[tilespmem:s24+$0xFFFFFFE0] =	vst v6  }
0x6d: {  	[tilespmem:s24+$0xFFFFFFF0] =	vst v4  }
0x6e: {  	[tilespmem:s24+$0x0] =	vst v1  }
0x6f: {  	[tilespmem:s24+$0x10] =	vst v2  }
0x70: {  	[tilespmem:s24+$0x20] =	vst v3  }
0x71: {  	s30 =	sadd.s32 s23, s8;
	[tilespmem:s24+$0xFFFFFFC0] =	vst v5  }
0x72: {  	[hbm4b:s30+s12] =	stream.strided.scatter [tilespmem:s16], [sflag:$0x2], $0x1000, s13, s12, $0x38;
	[tilespmem:$0x1E700] =	vst v63  }
0x73: {  	_ =	swait.ge [sflag:s17], $0x1000  }
0x74: {  	[sflag:s17] =	ssyncset.done $0x0  }
0x75: {  	s31 =	simm.s32 $0x1A770;
	[sflag:s17] =	ssyncadd.s32 $0xFFFFF000  }
0x76: {  	v1 =	vld [tilespmem:s31+$0x0]  }
0x77: {  	v2 =	vld [tilespmem:s31+$0xFFFFFFA0]  }
0x78: {  	v3 =	vld [tilespmem:s31+$0xFFFFFFB0]  }
0x79: {  	v4 =	vld [tilespmem:s31+$0xFFFFFFC0]  }
0x7a: {  	v5 =	vld [tilespmem:s31+$0xFFFFFFD0]  }
0x7b: {  	v7 =	vld [tilespmem:s31+$0xFFFFFFE0]  }
0x7c: {  	v8 =	vld [tilespmem:s31+$0xFFFFFFF0]  }
0x7d: {  	v9 =	vld [tilespmem:s31+$0xFFFFFF90]  }
0x7e: {  	v10 =	vld.idx.msk [tilespmem:v1+s4+$0x0], $0xffff  }
0x7f: {  	v11 =	vld.idx.msk [tilespmem:v2+s4+$0x0], $0xffff  }
0x80: {  	v6 =	vld.idx.msk [tilespmem:v3+s4+$0x0], $0xffff  }
0x81: {  	v4 =	vld.idx.msk [tilespmem:v4+s4+$0x0], $0xffff  }
0x82: {  	v1 =	vld.idx.msk [tilespmem:v5+s4+$0x0], $0xffff  }
0x83: {  	s24 =	simm.s32 $0x1C740;
	v2 =	vld.idx.msk [tilespmem:v7+s4+$0x0], $0xffff  }
0x84: {  	v3 =	vld.idx.msk [tilespmem:v8+s4+$0x0], $0xffff;
	[tilespmem:s24+$0x30] =	vst v10  }
0x85: {  	s25 =	simm.s32 $0x0;
	s26 =	simm.s32 $0x1A7F0;
	v5 =	vld.idx.msk [tilespmem:v9+s4+$0x0], $0xffff;
	[tilespmem:s24+$0xFFFFFFD0] =	vst v11  }
.LBB2_7:
0x86: {  	v7 =	vld [tilespmem:s26+$0x0];
	s25 =	sadd.s32 $0x8, s25;
	[tilespmem:s24+$0xFFFFFFE0] =	vst v6  }
0x87: {  	v6 =	vld [tilespmem:s26+$0xFFFFFFA0];
	p0 =	slt.u32 s25, $0xF8;
	[tilespmem:s24+$0xFFFFFFF0] =	vst v4  }
0x88: {  	v4 =	vld [tilespmem:s26+$0xFFFFFFB0];
	[tilespmem:s24+$0x0] =	vst v1  }
0x89: {  	v1 =	vld [tilespmem:s26+$0xFFFFFFC0];
	[tilespmem:s24+$0x10] =	vst v2  }
0x8a: {  	v2 =	vld [tilespmem:s26+$0xFFFFFFD0];
	[tilespmem:s24+$0x20] =	vst v3  }
0x8b: {  	v3 =	vld [tilespmem:s26+$0xFFFFFFE0];
	[tilespmem:s24+$0xFFFFFFC0] =	vst v5  }
0x8c: {  	v5 =	vld [tilespmem:s26+$0xFFFFFFF0]  }
0x8d: {  	v8 =	vld [tilespmem:s26+$0xFFFFFF90]  }
0x8e: {  	v7 =	vld.idx.msk [tilespmem:v7+s4+$0x0], $0xffff  }
0x8f: {  	v9 =	vld.idx.msk [tilespmem:v6+s4+$0x0], $0xffff  }
0x90: {  	v6 =	vld.idx.msk [tilespmem:v4+s4+$0x0], $0xffff  }
.Ltmp2:
0x91: {  	v4 =	vld.idx.msk [tilespmem:v1+s4+$0x0], $0xffff;
	(pc) =	sbr.rel @p0 .LBB2_7-.Ltmp2, $4  }
0x92: {  	v1 =	vld.idx.msk [tilespmem:v2+s4+$0x0], $0xffff  }
0x93: {  	s24 =	sadd.s32 $0x80, s24;
	v2 =	vld.idx.msk [tilespmem:v3+s4+$0x0], $0xffff  }
0x94: {  	v3 =	vld.idx.msk [tilespmem:v5+s4+$0x0], $0xffff;
	[tilespmem:s24+$0x30] =	vst v7  }
0x95: {  	s26 =	sadd.s32 $0x80, s26;
	v5 =	vld.idx.msk [tilespmem:v8+s4+$0x0], $0xffff;
	[tilespmem:s24+$0xFFFFFFD0] =	vst v9  }
0x96: {  	[tilespmem:s24+$0xFFFFFFE0] =	vst v6  }
0x97: {  	[tilespmem:s24+$0xFFFFFFF0] =	vst v4  }
0x98: {  	[tilespmem:s24+$0x0] =	vst v1  }
0x99: {  	[tilespmem:s24+$0x10] =	vst v2  }
0x9a: {  	[tilespmem:s24+$0x20] =	vst v3  }
0x9b: {  	s30 =	sadd.s32 s23, s9;
	[tilespmem:s24+$0xFFFFFFC0] =	vst v5  }
0x9c: {  	[hbm4b:s30+s12] =	stream.strided.scatter [tilespmem:s15], [sflag:$0x1], $0x1000, s13, s12, $0x38;
	[tilespmem:$0x1E700] =	vst v63  }
0x9d: {  	_ =	swait.ge [sflag:s18], $0x1000  }
0x9e: {  	[sflag:s18] =	ssyncset.done $0x0  }
0x9f: {  	s31 =	simm.s32 $0x1B770;
	[sflag:s18] =	ssyncadd.s32 $0xFFFFF000  }
0xa0: {  	v1 =	vld [tilespmem:s31+$0x0]  }
0xa1: {  	v2 =	vld [tilespmem:s31+$0xFFFFFFA0]  }
0xa2: {  	v3 =	vld [tilespmem:s31+$0xFFFFFFB0]  }
0xa3: {  	v4 =	vld [tilespmem:s31+$0xFFFFFFC0]  }
0xa4: {  	v5 =	vld [tilespmem:s31+$0xFFFFFFD0]  }
0xa5: {  	v7 =	vld [tilespmem:s31+$0xFFFFFFE0]  }
0xa6: {  	v8 =	vld [tilespmem:s31+$0xFFFFFFF0]  }
0xa7: {  	v9 =	vld [tilespmem:s31+$0xFFFFFF90]  }
0xa8: {  	v10 =	vld.idx.msk [tilespmem:v1+s4+$0x0], $0xffff  }
0xa9: {  	v11 =	vld.idx.msk [tilespmem:v2+s4+$0x0], $0xffff  }
0xaa: {  	v6 =	vld.idx.msk [tilespmem:v3+s4+$0x0], $0xffff  }
0xab: {  	v4 =	vld.idx.msk [tilespmem:v4+s4+$0x0], $0xffff  }
0xac: {  	v1 =	vld.idx.msk [tilespmem:v5+s4+$0x0], $0xffff  }
0xad: {  	s24 =	simm.s32 $0x1D740;
	v2 =	vld.idx.msk [tilespmem:v7+s4+$0x0], $0xffff  }
0xae: {  	v3 =	vld.idx.msk [tilespmem:v8+s4+$0x0], $0xffff;
	[tilespmem:s24+$0x30] =	vst v10  }
0xaf: {  	s25 =	simm.s32 $0x0;
	s26 =	simm.s32 $0x1B7F0;
	v5 =	vld.idx.msk [tilespmem:v9+s4+$0x0], $0xffff;
	[tilespmem:s24+$0xFFFFFFD0] =	vst v11  }
.LBB2_9:
0xb0: {  	v7 =	vld [tilespmem:s26+$0x0];
	s25 =	sadd.s32 $0x8, s25;
	[tilespmem:s24+$0xFFFFFFE0] =	vst v6  }
0xb1: {  	v6 =	vld [tilespmem:s26+$0xFFFFFFA0];
	p0 =	slt.u32 s25, $0xF8;
	[tilespmem:s24+$0xFFFFFFF0] =	vst v4  }
0xb2: {  	v4 =	vld [tilespmem:s26+$0xFFFFFFB0];
	[tilespmem:s24+$0x0] =	vst v1  }
0xb3: {  	v1 =	vld [tilespmem:s26+$0xFFFFFFC0];
	[tilespmem:s24+$0x10] =	vst v2  }
0xb4: {  	v2 =	vld [tilespmem:s26+$0xFFFFFFD0];
	[tilespmem:s24+$0x20] =	vst v3  }
0xb5: {  	v3 =	vld [tilespmem:s26+$0xFFFFFFE0];
	[tilespmem:s24+$0xFFFFFFC0] =	vst v5  }
0xb6: {  	v5 =	vld [tilespmem:s26+$0xFFFFFFF0]  }
0xb7: {  	v8 =	vld [tilespmem:s26+$0xFFFFFF90]  }
0xb8: {  	v7 =	vld.idx.msk [tilespmem:v7+s4+$0x0], $0xffff  }
0xb9: {  	v9 =	vld.idx.msk [tilespmem:v6+s4+$0x0], $0xffff  }
0xba: {  	v6 =	vld.idx.msk [tilespmem:v4+s4+$0x0], $0xffff  }
.Ltmp3:
0xbb: {  	v4 =	vld.idx.msk [tilespmem:v1+s4+$0x0], $0xffff;
	(pc) =	sbr.rel @p0 .LBB2_9-.Ltmp3, $4  }
0xbc: {  	v1 =	vld.idx.msk [tilespmem:v2+s4+$0x0], $0xffff  }
0xbd: {  	s24 =	sadd.s32 $0x80, s24;
	v2 =	vld.idx.msk [tilespmem:v3+s4+$0x0], $0xffff  }
0xbe: {  	v3 =	vld.idx.msk [tilespmem:v5+s4+$0x0], $0xffff;
	[tilespmem:s24+$0x30] =	vst v7  }
0xbf: {  	s26 =	sadd.s32 $0x80, s26;
	v5 =	vld.idx.msk [tilespmem:v8+s4+$0x0], $0xffff;
	[tilespmem:s24+$0xFFFFFFD0] =	vst v9  }
0xc0: {  	[tilespmem:s24+$0xFFFFFFE0] =	vst v6  }
0xc1: {  	[tilespmem:s24+$0xFFFFFFF0] =	vst v4  }
0xc2: {  	[tilespmem:s24+$0x0] =	vst v1  }
0xc3: {  	[tilespmem:s24+$0x10] =	vst v2  }
0xc4: {  	p0 =	seq.s32 s21, $0x19;
	[tilespmem:s24+$0x20] =	vst v3  }
0xc5: {  	s23 =	sadd.s32 s23, s10;
	s22 =	sadd.s32 @!p0 $0x1, s22;
	[tilespmem:s24+$0xFFFFFFC0] =	vst v5  }
0xc6: {  	[hbm4b:s23+s12] =	stream.strided.scatter [tilespmem:s16], [sflag:$0x2], $0x1000, s13, s12, $0x38;
	[tilespmem:$0x1E700] =	vst v63  }
0xc7: {  	s23 =	sshrl.u32 @!p0 s22, $0x3  }
0xc8: {  	s22 =	sshll.u32 @!p0 s22, $0x7;
	s23 =	smul.u32 @!p0 $0xC3800, s23  }
0xc9: {  	s22 =	sand.u32 @!p0 $0x380, s22  }
0xca: {  	s22 =	sor.u32 @!p0 s22, s23  }
0xcb: {  	s21 =	sadd.s32 $0x1, s21;
	s25 =	simm.s32 @!p0 $0x0;
	s22 =	sshrl.u32 @!p0 s22, $0x3  }
0xcc: {  	s24 =	simm.s32 @!p0 $0x400;
	s23 =	simm.s32 @!p0 $0x80;
	s22 =	sadd.s32 @!p0 s1, s22  }
0xcd: {  	[tilespmem:s25], [sflag:$0x3] =	stream.strided.gather @!p0 [hbm4b:s22+s23], $0x18700, s24, s23, $0x38;
	[tilespmem:$0x1E700] =	vst v63  }
0xce: {  	p0 =	sne.s32 s21, $0x1A;
	_ =	swait.ge [sflag:s17], $0x1000  }
.Ltmp4:
0xcf: {  	[sflag:s17] =	ssyncset.done $0x0;
	(pc) =	sbr.rel @p0 .LBB2_2-.Ltmp4, $4  }
0xd0: {  	[sflag:s17] =	ssyncadd.s32 $0xFFFFF000  }
0xd1: {  	_ =	swait.ge [sflag:s18], $0x1000  }
0xd2: {  	[sflag:s18] =	ssyncset.done $0x0  }
0xd3: {  	[sflag:s18] =	ssyncadd.s32 $0xFFFFF000  }
0xd4: {  	s19 =	sadd.s32 $0x1, s19  }
0xd5: {  	p0 =	sne.s32 s19, s11  }
.Ltmp5:
0xd6: {  	_ = 	snop;
	(pc) =	sbr.rel @p0 .LBB2_1-.Ltmp5, $1  }
0xd7: {  	_ =	sdelay $0x3  }
0xd8: {  	_ =	sfence.sel $0x180000  }
0xd9: {  	[bflag:$0x0] =	sbarrier.arrive $0xFFFF  }
0xda: {  	p0 =	sne.s32 s3, $0x0;
	_ =	strace $0x90000047  }
0xdb: {  	s0 =	sadd.s32 @!p0 $0x100000, s0;
	[bflag:$0x2] =	sbarrier.arrive $0xFFFF  }
0xdc: {  	[sflag:s0] =	ssyncadd.tile.s32 @!p0 $0x1;
	_ =	shalt  }
.Lfunc_end2:
_tile_overlayer_lowered:
.L_overlay_start_2:
0xdd: {  	(tag) =	ssettag $0x2  }
0xde: {  	s0 =	rddreg [dreg:$0x0];
	s2 =	stileid.u32  }
0xdf: {  	s1 =	rddreg [dreg:$0x1];
	p0 =	sne.s32 s2, $0x0  }
0xe0: {  	s3 =	rddreg [dreg:$0x2];
	[bflag:$0x3] =	sbarrier.arrive $0xFFFF;
	s2 =	simm.s32 @!p0 $0x1C04  }
0xe1: {  	[timem:s3], [sflag:s2] =	dma.local @!p0 [hbm:s0], s1  }
0xe2: {  	s0 =	simm.s32 @!p0 $0x4  }
0xe3: {  	_ =	swait.ge @!p0 [sflag:s0], s1  }
0xe4: {  	s1 =	ssub.s32 @!p0 $0x0, s1;
	[sflag:s0] =	ssyncset.done @!p0 $0x0  }
0xe5: {  	[sflag:s0] =	ssyncadd.s32 @!p0 s1  }
0xe6: {  	[bflag:$0x3] =	sbarrier.arrive $0xFFFF  }
0xe7: {  	_ =	shalt  }

</sc_bundles>
